<compile_context>
chip_gen: v7x
topology: tpu7x:2x2x1
jax: 0.10.2.dev20260603
libtpu: 0.0.44.dev20260713+nightly
codegen_flags: <defaults>
</compile_context>

<pallas_src>
import jax
import jax.numpy as jnp
from jax.experimental import pallas as pl
from jax.experimental.pallas import tpu as pltpu
from jax.experimental.pallas import tpu_sc as plsc

EMB = 32
MLP_EMB = 128
GATHER_WINDOW = 128
B_BLK = 4096


def _sc_gather_pair(idx_a, idx_b, table_a, table_b, width):
    n = idx_a.shape[0]
    mesh = plsc.VectorSubcoreMesh(core_axis_name="c", subcore_axis_name="s")
    out_types = (
        jax.ShapeDtypeStruct((n, width), jnp.float32),
        jax.ShapeDtypeStruct((n, width), jnp.float32),
    )

    @pl.kernel(out_type=out_types, mesh=mesh)
    def gather_kernel(a_hbm, b_hbm, ta_hbm, tb_hbm, oa_hbm, ob_hbm):
        idx_spec = pl.BlockSpec((GATHER_WINDOW,), lambda i: (i,))
        row_spec = pl.BlockSpec((GATHER_WINDOW, width), lambda i: (i, 0))

        def body(a_vmem, b_vmem, oa_vmem, ob_vmem):
            pltpu.sync_copy(ta_hbm.at[a_vmem], oa_vmem)
            pltpu.sync_copy(tb_hbm.at[b_vmem], ob_vmem)

        pltpu.emit_pipeline(
            body,
            grid=(n // GATHER_WINDOW,),
            in_specs=[idx_spec, idx_spec],
            out_specs=[row_spec, row_spec],
            core_axis_name=("c", "s"),
            dimension_semantics=(pltpu.PARALLEL,),
        )(a_hbm, b_hbm, oa_hbm, ob_hbm)

    return gather_kernel(idx_a, idx_b, table_a, table_b)


def _dense_body(mu_ref, mi_ref, gu_ref, gi_ref,
                w1u_ref, w1i_ref, b1_ref, w2_ref, b2_ref, w3_ref, b3_ref,
                wpg_ref, wph_ref, bp_ref, out_ref):
    h = jnp.dot(mu_ref[...], w1u_ref[...], preferred_element_type=jnp.float32)
    h = h + jnp.dot(mi_ref[...], w1i_ref[...], preferred_element_type=jnp.float32)
    h = jnp.maximum(h + b1_ref[...], 0.0)
    h = jnp.dot(h, w2_ref[...], preferred_element_type=jnp.float32) + b2_ref[...]
    h = jnp.maximum(h, 0.0)
    h = jnp.dot(h, w3_ref[...], preferred_element_type=jnp.float32) + b3_ref[...]
    h = jnp.maximum(h, 0.0)
    gmf = gu_ref[...] * gi_ref[...]
    out = jnp.dot(gmf, wpg_ref[...], preferred_element_type=jnp.float32)
    out = out + jnp.dot(h, wph_ref[...], preferred_element_type=jnp.float32)
    out_ref[...] = out + bp_ref[0, 0]


def _full(shape):
    return pl.BlockSpec(shape, lambda i: tuple(0 for _ in shape))


def kernel(user, item, gmf_user_w, gmf_item_w, mlp_user_w, mlp_item_w,
           W1, b1, W2, b2, W3, b3, Wp, bp):
    n = user.shape[0]
    user = user.astype(jnp.int32)
    item = item.astype(jnp.int32)

    mu, mi = _sc_gather_pair(user, item, mlp_user_w, mlp_item_w, MLP_EMB)

    gu = jnp.take(gmf_user_w, user, axis=0)
    gi = jnp.take(gmf_item_w, item, axis=0)

    w1u = W1[:, :MLP_EMB].T
    w1i = W1[:, MLP_EMB:].T
    w2t = W2.T
    w3t = W3.T
    wpg = Wp[:, :EMB].T
    wph = Wp[:, EMB:].T
    b1r = b1.reshape(1, -1)
    b2r = b2.reshape(1, -1)
    b3r = b3.reshape(1, -1)
    bpr = bp.reshape(1, 1)
    wide_spec = pl.BlockSpec((B_BLK, MLP_EMB), lambda i: (i, 0))
    emb_spec = pl.BlockSpec((B_BLK, EMB), lambda i: (i, 0))
    col_spec = pl.BlockSpec((B_BLK, 1), lambda i: (i, 0))
    out = pl.pallas_call(
        _dense_body,
        grid=(n // B_BLK,),
        in_specs=[
            wide_spec, wide_spec, emb_spec, emb_spec,
            _full(w1u.shape), _full(w1i.shape), _full(b1r.shape),
            _full(w2t.shape), _full(b2r.shape),
            _full(w3t.shape), _full(b3r.shape),
            _full(wpg.shape), _full(wph.shape), _full(bpr.shape),
        ],
        out_specs=col_spec,
        out_shape=jax.ShapeDtypeStruct((n, 1), jnp.float32),
    )(mu, mi, gu, gi, w1u, w1i, b1r, w2t, b2r, w3t, b3r, wpg, wph, bpr)
    return out.reshape(-1)

# --- scband reference (transcript-rebuilt; emitter-appended) ---
"""Pipeline reference for scband-ncf-23819888623672 (READ-ONLY COPY).

The authoritative reference and input builder live on the scoring server;
editing this copy changes nothing except your own understanding.
"""

import jax, jax.numpy as jnp
import numpy as np

USER_NUM = 1000000
ITEM_NUM = 1000000
EMB = 32
LAYERS = 3
MLP_EMB = EMB * 2 ** (LAYERS - 1)  # 128
BATCH = 16384


def setup_inputs(seed: int = 0) -> dict:
    key = jax.random.key(seed)
    ks = jax.random.split(key, 14)
    user = jax.random.randint(ks[0], (BATCH,), 0, USER_NUM)
    item = jax.random.randint(ks[1], (BATCH,), 0, ITEM_NUM)
    gmf_user_w = jax.random.normal(ks[2], (USER_NUM, EMB), dtype=jnp.float32) * 0.01
    gmf_item_w = jax.random.normal(ks[3], (ITEM_NUM, EMB), dtype=jnp.float32) * 0.01
    mlp_user_w = jax.random.normal(ks[4], (USER_NUM, MLP_EMB), dtype=jnp.float32) * 0.01
    mlp_item_w = jax.random.normal(ks[5], (ITEM_NUM, MLP_EMB), dtype=jnp.float32) * 0.01
    # MLP layers: 256->128, 128->64, 64->32 (torch Linear convention: y = x @ W.T + b)
    W1 = jax.random.normal(ks[6], (128, 256), dtype=jnp.float32) * (1.0 / np.sqrt(256))
    b1 = jnp.zeros((128,), dtype=jnp.float32)
    W2 = jax.random.normal(ks[7], (64, 128), dtype=jnp.float32) * (1.0 / np.sqrt(128))
    b2 = jnp.zeros((64,), dtype=jnp.float32)
    W3 = jax.random.normal(ks[8], (32, 64), dtype=jnp.float32) * (1.0 / np.sqrt(64))
    b3 = jnp.zeros((32,), dtype=jnp.float32)
    Wp = jax.random.normal(ks[9], (1, 2 * EMB), dtype=jnp.float32) * (1.0 / np.sqrt(2 * EMB))
    bp = jnp.zeros((1,), dtype=jnp.float32)
    return {
        'user': user, 'item': item,
        'gmf_user_w': gmf_user_w, 'gmf_item_w': gmf_item_w,
        'mlp_user_w': mlp_user_w, 'mlp_item_w': mlp_item_w,
        'W1': W1, 'b1': b1, 'W2': W2, 'b2': b2, 'W3': W3, 'b3': b3,
        'Wp': Wp, 'bp': bp,
    }


def reference(user, item, gmf_user_w, gmf_item_w, mlp_user_w, mlp_item_w,
              W1, b1, W2, b2, W3, b3, Wp, bp):
    gmf_u = jnp.take(gmf_user_w, user, axis=0)
    gmf_i = jnp.take(gmf_item_w, item, axis=0)
    gmf_prod = gmf_u * gmf_i
    mlp_u = jnp.take(mlp_user_w, user, axis=0)
    mlp_i = jnp.take(mlp_item_w, item, axis=0)
    h = jnp.concatenate([mlp_u, mlp_i], axis=-1)
    # dropout p=0.0 -> identity
    h = jax.nn.relu(h @ W1.T + b1)
    h = jax.nn.relu(h @ W2.T + b2)
    h = jax.nn.relu(h @ W3.T + b3)
    ncf = jnp.concatenate([gmf_prod, h], axis=-1)
    out = ncf @ Wp.T + bp
    return out.reshape(-1)

if __name__ == "__main__":
    import jax
    _d = setup_inputs()
    print(jax.jit(kernel)(*tuple(_d.values())))

</pallas_src>

<mosaic_0001>
#map = affine_map<(d0, d1) -> (0)>
#map1 = affine_map<(d0, d1) -> (0, 0)>
module attributes {stable_mosaic.version = 14 : i64} {
  func.func @gather_kernel(%arg0: i32, %arg1: i32, %arg2: memref<16384xi32, #tpu.memory_space<hbm>>, %arg3: memref<16384xi32, #tpu.memory_space<hbm>>, %arg4: memref<1000000x128xf32, #tpu.memory_space<hbm>>, %arg5: memref<1000000x128xf32, #tpu.memory_space<hbm>>, %arg6: memref<16384x128xf32, #tpu.memory_space<hbm>>, %arg7: memref<16384x128xf32, #tpu.memory_space<hbm>>) attributes {dimension_semantics = [#tpu.dimension_semantics<core_parallel>, #tpu.dimension_semantics<subcore_parallel>], iteration_bounds = array<i64: 2, 16>, scalar_prefetch = 0 : i64, scratch_operands = 0 : i64, tpu.core_type = #tpu.core_type<sc_vector_subcore>, window_params = [{transform_indices = #map}, {transform_indices = #map}, {transform_indices = #map1}, {transform_indices = #map1}, {transform_indices = #map1}, {transform_indices = #map1}]} {
    %mul3A = arith.constant 1 : i32
    %mul3A_0 = arith.muli %arg1, %mul3A : i32
    %add3A = arith.constant 0 : i32
    %add3A_1 = arith.addi %add3A, %mul3A_0 : i32
    %mul3A_2 = arith.constant 16 : i32
    %mul3A_3 = arith.muli %arg0, %mul3A_2 : i32
    %add3A_4 = arith.addi %add3A_1, %mul3A_3 : i32
    %mul3A_5 = arith.constant 4 : i32
    %mul3A_6 = arith.muli %add3A_4, %mul3A_5 : i32
    "tpu.region"() ({
      %run_scoped3A = memref.alloca() : memref<256xi32, #tpu.memory_space<vmem>>
      %run_scoped3A_7 = tpu.sem_alloc : memref<2x!tpu.dma_semaphore, #tpu.memory_space<semaphore_mem>>
      %run_scoped3A_8 = memref.alloca() : memref<256xi32, #tpu.memory_space<vmem>>
      %run_scoped3A_9 = tpu.sem_alloc : memref<2x!tpu.dma_semaphore, #tpu.memory_space<semaphore_mem>>
      %run_scoped3A_10 = memref.alloca() : memref<2x128x128xf32, #tpu.memory_space<vmem>>
      %run_scoped3A_11 = tpu.sem_alloc : memref<2x!tpu.dma_semaphore, #tpu.memory_space<semaphore_mem>>
      %run_scoped3A_12 = memref.alloca() : memref<2x128x128xf32, #tpu.memory_space<vmem>>
      %run_scoped3A_13 = tpu.sem_alloc : memref<2x!tpu.dma_semaphore, #tpu.memory_space<semaphore_mem>>
      %add3A_14 = arith.constant 0 : i32
      %add3A_15 = arith.addi %add3A_14, %mul3A_6 : i32
      %select_n3A = arith.constant true
      %select_n3A_16 = arith.constant 0 : i32
      %select_n3A_17 = arith.constant -1 : i32
      %select_n3A_18 = arith.select %select_n3A, %select_n3A_17, %select_n3A_16 : i32
      %eq3A = arith.constant -1 : i32
      %eq3A_19 = arith.cmpi eq, %select_n3A_18, %eq3A : i32
      %select_n3A_20 = arith.constant 3 : i32
      %select_n3A_21 = arith.select %eq3A_19, %select_n3A_20, %select_n3A_18 : i32
      %add3A_22 = arith.addi %select_n3A_21, %mul3A_6 : i32
      %select_n3A_23 = arith.constant true
      %select_n3A_24 = arith.constant 0 : i32
      %select_n3A_25 = arith.constant 1 : i32
      %select_n3A_26 = arith.select %select_n3A_23, %select_n3A_25, %select_n3A_24 : i32
      %eq3A_27 = arith.constant 4 : i32
      %eq3A_28 = arith.cmpi eq, %select_n3A_26, %eq3A_27 : i32
      %select_n3A_29 = arith.constant 0 : i32
      %select_n3A_30 = arith.select %eq3A_28, %select_n3A_29, %select_n3A_26 : i32
      %add3A_31 = arith.addi %select_n3A_30, %mul3A_6 : i32
      %add3A_32 = arith.constant 1 : i32
      %add3A_33 = arith.addi %select_n3A_30, %add3A_32 : i32
      %select_n3A_34 = arith.constant true
      %select_n3A_35 = arith.select %select_n3A_34, %add3A_33, %select_n3A_30 : i32
      %eq3A_36 = arith.constant 4 : i32
      %eq3A_37 = arith.cmpi eq, %select_n3A_35, %eq3A_36 : i32
      %select_n3A_38 = arith.constant 0 : i32
      %select_n3A_39 = arith.select %eq3A_37, %select_n3A_38, %select_n3A_35 : i32
      %add3A_40 = arith.addi %select_n3A_39, %mul3A_6 : i32
      "tpu.trace_start"() <{level = 10 : i32, message = "ep_initialize_0"}> : () -> ()
      %rem3A = arith.constant 0 : i32
      %rem3A_41 = arith.constant 2 : i32
      %rem3A_42 = arith.remui %rem3A, %rem3A_41 : i32
      %mul3A_43 = arith.constant 128 : i32
      %mul3A_44 = arith.muli %mul3A_43, %add3A_15 : i32
      %mul3A_45 = arith.constant 128 : i32
      %mul3A_46 = arith.muli %rem3A_42, %mul3A_45 : i32
      %add3A_47 = arith.constant 0 : i32
      %add3A_48 = arith.addi %mul3A_46, %add3A_47 : i32
      %dma_start3A = tpu.memref_slice %run_scoped3A[%add3A_48] : memref<256xi32, #tpu.memory_space<vmem>> -> memref<128xi32, #tpu.memory_space<vmem>>
      %dma_start3A_49 = tpu.memref_slice %arg2[%mul3A_44] : memref<16384xi32, #tpu.memory_space<hbm>> -> memref<128xi32, #tpu.memory_space<hbm>>
      %dma_start3A_50 = tpu.memref_slice %run_scoped3A_7[%rem3A_42] : memref<2x!tpu.dma_semaphore, #tpu.memory_space<semaphore_mem>> -> memref<1x!tpu.dma_semaphore, #tpu.memory_space<semaphore_mem>>
      %dma_start3A_51 = tpu.memref_squeeze %dma_start3A_50 : memref<1x!tpu.dma_semaphore, #tpu.memory_space<semaphore_mem>> -> memref<!tpu.dma_semaphore, #tpu.memory_space<semaphore_mem>>
      %dma_start3A_52 = tpu.memref_slice %run_scoped3A[%add3A_48] : memref<256xi32, #tpu.memory_space<vmem>> -> memref<128xi32, #tpu.memory_space<vmem>>
      %dma_start3A_53 = tpu.memref_slice %arg2[%mul3A_44] : memref<16384xi32, #tpu.memory_space<hbm>> -> memref<128xi32, #tpu.memory_space<hbm>>
      tpu.enqueue_dma source(%dma_start3A_53 : memref<128xi32, #tpu.memory_space<hbm>>) target(%dma_start3A_52 : memref<128xi32, #tpu.memory_space<vmem>>) target_semaphore(%dma_start3A_51 : memref<!tpu.dma_semaphore, #tpu.memory_space<semaphore_mem>>)
      %add3A_54 = arith.constant 0 : i32
      %add3A_55 = arith.constant 1 : i32
      %add3A_56 = arith.addi %add3A_54, %add3A_55 : i32
      %select_n3A_57 = arith.constant true
      %select_n3A_58 = arith.constant 0 : i32
      %select_n3A_59 = arith.select %select_n3A_57, %add3A_56, %select_n3A_58 : i32
      %rem3A_60 = arith.constant 0 : i32
      %rem3A_61 = arith.constant 2 : i32
      %rem3A_62 = arith.remui %rem3A_60, %rem3A_61 : i32
      %mul3A_63 = arith.constant 128 : i32
      %mul3A_64 = arith.muli %mul3A_63, %add3A_15 : i32
      %mul3A_65 = arith.constant 128 : i32
      %mul3A_66 = arith.muli %rem3A_62, %mul3A_65 : i32
      %add3A_67 = arith.constant 0 : i32
      %add3A_68 = arith.addi %mul3A_66, %add3A_67 : i32
      %dma_start3A_69 = tpu.memref_slice %run_scoped3A_8[%add3A_68] : memref<256xi32, #tpu.memory_space<vmem>> -> memref<128xi32, #tpu.memory_space<vmem>>
      %dma_start3A_70 = tpu.memref_slice %arg3[%mul3A_64] : memref<16384xi32, #tpu.memory_space<hbm>> -> memref<128xi32, #tpu.memory_space<hbm>>
      %dma_start3A_71 = tpu.memref_slice %run_scoped3A_9[%rem3A_62] : memref<2x!tpu.dma_semaphore, #tpu.memory_space<semaphore_mem>> -> memref<1x!tpu.dma_semaphore, #tpu.memory_space<semaphore_mem>>
      %dma_start3A_72 = tpu.memref_squeeze %dma_start3A_71 : memref<1x!tpu.dma_semaphore, #tpu.memory_space<semaphore_mem>> -> memref<!tpu.dma_semaphore, #tpu.memory_space<semaphore_mem>>
      %dma_start3A_73 = tpu.memref_slice %run_scoped3A_8[%add3A_68] : memref<256xi32, #tpu.memory_space<vmem>> -> memref<128xi32, #tpu.memory_space<vmem>>
      %dma_start3A_74 = tpu.memref_slice %arg3[%mul3A_64] : memref<16384xi32, #tpu.memory_space<hbm>> -> memref<128xi32, #tpu.memory_space<hbm>>
      tpu.enqueue_dma source(%dma_start3A_74 : memref<128xi32, #tpu.memory_space<hbm>>) target(%dma_start3A_73 : memref<128xi32, #tpu.memory_space<vmem>>) target_semaphore(%dma_start3A_72 : memref<!tpu.dma_semaphore, #tpu.memory_space<semaphore_mem>>)
      %add3A_75 = arith.constant 0 : i32
      %add3A_76 = arith.constant 1 : i32
      %add3A_77 = arith.addi %add3A_75, %add3A_76 : i32
      %select_n3A_78 = arith.constant true
      %select_n3A_79 = arith.constant 0 : i32
      %select_n3A_80 = arith.select %select_n3A_78, %add3A_77, %select_n3A_79 : i32
      "tpu.trace_stop"() : () -> ()
      %scan3A = arith.constant 0 : i32
      %scan3A_81 = arith.constant 0 : i32
      %scan3A_82 = arith.constant 0 : i32
      %scan3A_83 = arith.constant 0 : i32
      %scan3A_84 = arith.constant 0 : i32
      %scan3A_85 = arith.constant 0 : i32
      %scan3A_86 = arith.constant 0 : i32
      %scan3A_87 = arith.constant 0 : i32
      %scan3A_88 = arith.constant 4 : i32
      %scan3A_89 = arith.addi %scan3A_87, %scan3A_88 : i32
      %scan3A_90 = arith.constant 1 : i32
      %scan3A_91:9 = scf.for %scan3A_163 = %scan3A_87 to %scan3A_89 step %scan3A_90 iter_args(%scan3A_164 = %select_n3A_59, %scan3A_165 = %scan3A, %scan3A_166 = %select_n3A_80, %scan3A_167 = %scan3A_81, %scan3A_168 = %scan3A_82, %scan3A_169 = %scan3A_83, %scan3A_170 = %scan3A_84, %scan3A_171 = %scan3A_85, %scan3A_172 = %scan3A_86) -> (i32, i32, i32, i32, i32, i32, i32, i32, i32)  : i32 {
        %eq3A_173 = arith.constant 0 : i32
        %eq3A_174 = arith.cmpi eq, %scan3A_163, %eq3A_173 : i32
        %eq3A_175 = arith.constant 3 : i32
        %eq3A_176 = arith.cmpi eq, %scan3A_163, %eq3A_175 : i32
        %add3A_177 = arith.addi %scan3A_172, %mul3A_6 : i32
        %sub3A_178 = arith.constant 1 : i32
        %sub3A_179 = arith.subi %scan3A_172, %sub3A_178 : i32
        %select_n3A_180 = arith.constant true
        %select_n3A_181 = arith.select %select_n3A_180, %sub3A_179, %scan3A_172 : i32
        %eq3A_182 = arith.constant -1 : i32
        %eq3A_183 = arith.cmpi eq, %select_n3A_181, %eq3A_182 : i32
        %select_n3A_184 = arith.constant 3 : i32
        %select_n3A_185 = arith.select %eq3A_183, %select_n3A_184, %select_n3A_181 : i32
        %add3A_186 = arith.addi %select_n3A_185, %mul3A_6 : i32
        %add3A_187 = arith.constant 1 : i32
        %add3A_188 = arith.addi %scan3A_172, %add3A_187 : i32
        %select_n3A_189 = arith.constant true
        %select_n3A_190 = arith.select %select_n3A_189, %add3A_188, %scan3A_172 : i32
        %eq3A_191 = arith.constant 4 : i32
        %eq3A_192 = arith.cmpi eq, %select_n3A_190, %eq3A_191 : i32
        %select_n3A_193 = arith.constant 0 : i32
        %select_n3A_194 = arith.select %eq3A_192, %select_n3A_193, %select_n3A_190 : i32
        %add3A_195 = arith.addi %select_n3A_194, %mul3A_6 : i32
        %add3A_196 = arith.constant 1 : i32
        %add3A_197 = arith.addi %select_n3A_194, %add3A_196 : i32
        %select_n3A_198 = arith.constant true
        %select_n3A_199 = arith.select %select_n3A_198, %add3A_197, %select_n3A_194 : i32
        %eq3A_200 = arith.constant 4 : i32
        %eq3A_201 = arith.cmpi eq, %select_n3A_199, %eq3A_200 : i32
        %select_n3A_202 = arith.constant 0 : i32
        %select_n3A_203 = arith.select %eq3A_201, %select_n3A_202, %select_n3A_199 : i32
        %add3A_204 = arith.addi %select_n3A_203, %mul3A_6 : i32
        %ne3A = arith.cmpi ne, %add3A_177, %add3A_195 : i32
        %or3A = arith.constant false
        %or3A_205 = arith.ori %or3A, %ne3A : i1
        %ge3A = arith.constant 3 : i32
        %ge3A_206 = arith.cmpi sge, %scan3A_163, %ge3A : i32
        %not3A = arith.constant true
        %not3A_207 = arith.xori %ge3A_206, %not3A : i1
        %and3A = arith.andi %or3A_205, %not3A_207 : i1
        %convert_element_type3A = arith.extui %and3A : i1 to i32
        %cond3A = arith.constant 0 : i32
        %cond3A_208 = arith.cmpi ne, %convert_element_type3A, %cond3A : i32
        scf.if %cond3A_208 {
          "tpu.trace_start"() <{level = 10 : i32, message = "ep_copy_in"}> : () -> ()
          %rem3A_416 = arith.constant 2 : i32
          %rem3A_417 = arith.remui %scan3A_164, %rem3A_416 : i32
          %mul3A_418 = arith.constant 128 : i32
          %mul3A_419 = arith.muli %mul3A_418, %add3A_195 : i32
          %mul3A_420 = arith.constant 128 : i32
          %mul3A_421 = arith.muli %rem3A_417, %mul3A_420 : i32
          %add3A_422 = arith.constant 0 : i32
          %add3A_423 = arith.addi %mul3A_421, %add3A_422 : i32
          %dma_start3A_424 = tpu.memref_slice %run_scoped3A[%add3A_423] : memref<256xi32, #tpu.memory_space<vmem>> -> memref<128xi32, #tpu.memory_space<vmem>>
          %dma_start3A_425 = tpu.memref_slice %arg2[%mul3A_419] : memref<16384xi32, #tpu.memory_space<hbm>> -> memref<128xi32, #tpu.memory_space<hbm>>
          %dma_start3A_426 = tpu.memref_slice %run_scoped3A_7[%rem3A_417] : memref<2x!tpu.dma_semaphore, #tpu.memory_space<semaphore_mem>> -> memref<1x!tpu.dma_semaphore, #tpu.memory_space<semaphore_mem>>
          %dma_start3A_427 = tpu.memref_squeeze %dma_start3A_426 : memref<1x!tpu.dma_semaphore, #tpu.memory_space<semaphore_mem>> -> memref<!tpu.dma_semaphore, #tpu.memory_space<semaphore_mem>>
          %dma_start3A_428 = tpu.memref_slice %run_scoped3A[%add3A_423] : memref<256xi32, #tpu.memory_space<vmem>> -> memref<128xi32, #tpu.memory_space<vmem>>
          %dma_start3A_429 = tpu.memref_slice %arg2[%mul3A_419] : memref<16384xi32, #tpu.memory_space<hbm>> -> memref<128xi32, #tpu.memory_space<hbm>>
          tpu.enqueue_dma source(%dma_start3A_429 : memref<128xi32, #tpu.memory_space<hbm>>) target(%dma_start3A_428 : memref<128xi32, #tpu.memory_space<vmem>>) target_semaphore(%dma_start3A_427 : memref<!tpu.dma_semaphore, #tpu.memory_space<semaphore_mem>>)
          "tpu.trace_stop"() : () -> ()
        } else {
        }
        %and3A_209 = arith.constant true
        %and3A_210 = arith.andi %and3A, %and3A_209 : i1
        %add3A_211 = arith.constant 1 : i32
        %add3A_212 = arith.addi %scan3A_164, %add3A_211 : i32
        %select_n3A_213 = arith.select %and3A_210, %add3A_212, %scan3A_164 : i32
        %ne3A_214 = arith.cmpi ne, %add3A_177, %add3A_195 : i32
        %or3A_215 = arith.constant false
        %or3A_216 = arith.ori %or3A_215, %ne3A_214 : i1
        %ge3A_217 = arith.constant 3 : i32
        %ge3A_218 = arith.cmpi sge, %scan3A_163, %ge3A_217 : i32
        %not3A_219 = arith.constant true
        %not3A_220 = arith.xori %ge3A_218, %not3A_219 : i1
        %and3A_221 = arith.andi %or3A_216, %not3A_220 : i1
        %convert_element_type3A_222 = arith.extui %and3A_221 : i1 to i32
        %cond3A_223 = arith.constant 0 : i32
        %cond3A_224 = arith.cmpi ne, %convert_element_type3A_222, %cond3A_223 : i32
        scf.if %cond3A_224 {
          "tpu.trace_start"() <{level = 10 : i32, message = "ep_copy_in"}> : () -> ()
          %rem3A_416 = arith.constant 2 : i32
          %rem3A_417 = arith.remui %scan3A_166, %rem3A_416 : i32
          %mul3A_418 = arith.constant 128 : i32
          %mul3A_419 = arith.muli %mul3A_418, %add3A_195 : i32
          %mul3A_420 = arith.constant 128 : i32
          %mul3A_421 = arith.muli %rem3A_417, %mul3A_420 : i32
          %add3A_422 = arith.constant 0 : i32
          %add3A_423 = arith.addi %mul3A_421, %add3A_422 : i32
          %dma_start3A_424 = tpu.memref_slice %run_scoped3A_8[%add3A_423] : memref<256xi32, #tpu.memory_space<vmem>> -> memref<128xi32, #tpu.memory_space<vmem>>
          %dma_start3A_425 = tpu.memref_slice %arg3[%mul3A_419] : memref<16384xi32, #tpu.memory_space<hbm>> -> memref<128xi32, #tpu.memory_space<hbm>>
          %dma_start3A_426 = tpu.memref_slice %run_scoped3A_9[%rem3A_417] : memref<2x!tpu.dma_semaphore, #tpu.memory_space<semaphore_mem>> -> memref<1x!tpu.dma_semaphore, #tpu.memory_space<semaphore_mem>>
          %dma_start3A_427 = tpu.memref_squeeze %dma_start3A_426 : memref<1x!tpu.dma_semaphore, #tpu.memory_space<semaphore_mem>> -> memref<!tpu.dma_semaphore, #tpu.memory_space<semaphore_mem>>
          %dma_start3A_428 = tpu.memref_slice %run_scoped3A_8[%add3A_423] : memref<256xi32, #tpu.memory_space<vmem>> -> memref<128xi32, #tpu.memory_space<vmem>>
          %dma_start3A_429 = tpu.memref_slice %arg3[%mul3A_419] : memref<16384xi32, #tpu.memory_space<hbm>> -> memref<128xi32, #tpu.memory_space<hbm>>
          tpu.enqueue_dma source(%dma_start3A_429 : memref<128xi32, #tpu.memory_space<hbm>>) target(%dma_start3A_428 : memref<128xi32, #tpu.memory_space<vmem>>) target_semaphore(%dma_start3A_427 : memref<!tpu.dma_semaphore, #tpu.memory_space<semaphore_mem>>)
          "tpu.trace_stop"() : () -> ()
        } else {
        }
        %and3A_225 = arith.constant true
        %and3A_226 = arith.andi %and3A_221, %and3A_225 : i1
        %add3A_227 = arith.constant 1 : i32
        %add3A_228 = arith.addi %scan3A_166, %add3A_227 : i32
        %select_n3A_229 = arith.select %and3A_226, %add3A_228, %scan3A_166 : i32
        %ne3A_230 = arith.cmpi ne, %add3A_177, %add3A_195 : i32
        %or3A_231 = arith.constant false
        %or3A_232 = arith.ori %or3A_231, %ne3A_230 : i1
        %or3A_233 = arith.constant false
        %or3A_234 = arith.ori %or3A_232, %or3A_233 : i1
        %ge3A_235 = arith.constant 3 : i32
        %ge3A_236 = arith.cmpi sge, %scan3A_163, %ge3A_235 : i32
        %not3A_237 = arith.constant true
        %not3A_238 = arith.xori %ge3A_236, %not3A_237 : i1
        %and3A_239 = arith.andi %or3A_234, %not3A_238 : i1
        %ne3A_240 = arith.cmpi ne, %add3A_177, %add3A_195 : i32
        %or3A_241 = arith.constant false
        %or3A_242 = arith.ori %or3A_241, %ne3A_240 : i1
        %or3A_243 = arith.constant false
        %or3A_244 = arith.ori %or3A_242, %or3A_243 : i1
        %ge3A_245 = arith.constant 3 : i32
        %ge3A_246 = arith.cmpi sge, %scan3A_163, %ge3A_245 : i32
        %not3A_247 = arith.constant true
        %not3A_248 = arith.xori %ge3A_246, %not3A_247 : i1
        %and3A_249 = arith.andi %or3A_244, %not3A_248 : i1
        %ne3A_250 = arith.cmpi ne, %add3A_177, %add3A_186 : i32
        %or3A_251 = arith.constant false
        %or3A_252 = arith.ori %or3A_251, %ne3A_250 : i1
        %or3A_253 = arith.ori %or3A_252, %eq3A_174 : i1
        %convert_element_type3A_254 = arith.extui %or3A_253 : i1 to i32
        %cond3A_255 = arith.constant 0 : i32
        %cond3A_256 = arith.cmpi ne, %convert_element_type3A_254, %cond3A_255 : i32
        scf.if %cond3A_256 {
          "tpu.trace_start"() <{level = 10 : i32, message = "ep_wait_in"}> : () -> ()
          %mul3A_416 = arith.constant 128 : i32
          %mul3A_417 = arith.muli %mul3A_416, %add3A_177 : i32
          %rem3A_418 = arith.constant 2 : i32
          %rem3A_419 = arith.remui %scan3A_165, %rem3A_418 : i32
          %mul3A_420 = arith.constant 128 : i32
          %mul3A_421 = arith.muli %rem3A_419, %mul3A_420 : i32
          %add3A_422 = arith.constant 0 : i32
          %add3A_423 = arith.addi %mul3A_421, %add3A_422 : i32
          %dma_wait3A_424 = tpu.memref_slice %run_scoped3A[%add3A_423] : memref<256xi32, #tpu.memory_space<vmem>> -> memref<128xi32, #tpu.memory_space<vmem>>
          %dma_wait3A_425 = tpu.memref_slice %arg2[%mul3A_417] : memref<16384xi32, #tpu.memory_space<hbm>> -> memref<128xi32, #tpu.memory_space<hbm>>
          %dma_wait3A_426 = tpu.memref_slice %run_scoped3A_7[%rem3A_419] : memref<2x!tpu.dma_semaphore, #tpu.memory_space<semaphore_mem>> -> memref<1x!tpu.dma_semaphore, #tpu.memory_space<semaphore_mem>>
          %dma_wait3A_427 = tpu.memref_squeeze %dma_wait3A_426 : memref<1x!tpu.dma_semaphore, #tpu.memory_space<semaphore_mem>> -> memref<!tpu.dma_semaphore, #tpu.memory_space<semaphore_mem>>
          %dma_wait3A_428 = tpu.memref_slice %run_scoped3A[%add3A_423] : memref<256xi32, #tpu.memory_space<vmem>> -> memref<128xi32, #tpu.memory_space<vmem>>
          %dma_wait3A_429 = tpu.memref_slice %arg2[%mul3A_417] : memref<16384xi32, #tpu.memory_space<hbm>> -> memref<128xi32, #tpu.memory_space<hbm>>
          tpu.wait_dma2 semaphore(%dma_wait3A_427 : memref<!tpu.dma_semaphore, #tpu.memory_space<semaphore_mem>>) src(%dma_wait3A_429 : memref<128xi32, #tpu.memory_space<hbm>>) dst(%dma_wait3A_428 : memref<128xi32, #tpu.memory_space<vmem>>)
          "tpu.trace_stop"() : () -> ()
        } else {
        }
        %ne3A_257 = arith.cmpi ne, %add3A_177, %add3A_186 : i32
        %or3A_258 = arith.constant false
        %or3A_259 = arith.ori %or3A_258, %ne3A_257 : i1
        %or3A_260 = arith.ori %or3A_259, %eq3A_174 : i1
        %convert_element_type3A_261 = arith.extui %or3A_260 : i1 to i32
        %cond3A_262 = arith.constant 0 : i32
        %cond3A_263 = arith.cmpi ne, %convert_element_type3A_261, %cond3A_262 : i32
        scf.if %cond3A_263 {
          "tpu.trace_start"() <{level = 10 : i32, message = "ep_wait_in"}> : () -> ()
          %mul3A_416 = arith.constant 128 : i32
          %mul3A_417 = arith.muli %mul3A_416, %add3A_177 : i32
          %rem3A_418 = arith.constant 2 : i32
          %rem3A_419 = arith.remui %scan3A_167, %rem3A_418 : i32
          %mul3A_420 = arith.constant 128 : i32
          %mul3A_421 = arith.muli %rem3A_419, %mul3A_420 : i32
          %add3A_422 = arith.constant 0 : i32
          %add3A_423 = arith.addi %mul3A_421, %add3A_422 : i32
          %dma_wait3A_424 = tpu.memref_slice %run_scoped3A_8[%add3A_423] : memref<256xi32, #tpu.memory_space<vmem>> -> memref<128xi32, #tpu.memory_space<vmem>>
          %dma_wait3A_425 = tpu.memref_slice %arg3[%mul3A_417] : memref<16384xi32, #tpu.memory_space<hbm>> -> memref<128xi32, #tpu.memory_space<hbm>>
          %dma_wait3A_426 = tpu.memref_slice %run_scoped3A_9[%rem3A_419] : memref<2x!tpu.dma_semaphore, #tpu.memory_space<semaphore_mem>> -> memref<1x!tpu.dma_semaphore, #tpu.memory_space<semaphore_mem>>
          %dma_wait3A_427 = tpu.memref_squeeze %dma_wait3A_426 : memref<1x!tpu.dma_semaphore, #tpu.memory_space<semaphore_mem>> -> memref<!tpu.dma_semaphore, #tpu.memory_space<semaphore_mem>>
          %dma_wait3A_428 = tpu.memref_slice %run_scoped3A_8[%add3A_423] : memref<256xi32, #tpu.memory_space<vmem>> -> memref<128xi32, #tpu.memory_space<vmem>>
          %dma_wait3A_429 = tpu.memref_slice %arg3[%mul3A_417] : memref<16384xi32, #tpu.memory_space<hbm>> -> memref<128xi32, #tpu.memory_space<hbm>>
          tpu.wait_dma2 semaphore(%dma_wait3A_427 : memref<!tpu.dma_semaphore, #tpu.memory_space<semaphore_mem>>) src(%dma_wait3A_429 : memref<128xi32, #tpu.memory_space<hbm>>) dst(%dma_wait3A_428 : memref<128xi32, #tpu.memory_space<vmem>>)
          "tpu.trace_stop"() : () -> ()
        } else {
        }
        %ne3A_264 = arith.cmpi ne, %add3A_177, %add3A_186 : i32
        %or3A_265 = arith.constant false
        %or3A_266 = arith.ori %or3A_265, %ne3A_264 : i1
        %or3A_267 = arith.constant false
        %or3A_268 = arith.ori %or3A_266, %or3A_267 : i1
        %or3A_269 = arith.ori %or3A_268, %eq3A_174 : i1
        %convert_element_type3A_270 = arith.extui %or3A_269 : i1 to i32
        %cond3A_271 = arith.constant 0 : i32
        %cond3A_272 = arith.cmpi ne, %convert_element_type3A_270, %cond3A_271 : i32
        scf.if %cond3A_272 {
        } else {
        }
        %ne3A_273 = arith.cmpi ne, %add3A_177, %add3A_186 : i32
        %or3A_274 = arith.constant false
        %or3A_275 = arith.ori %or3A_274, %ne3A_273 : i1
        %or3A_276 = arith.constant false
        %or3A_277 = arith.ori %or3A_275, %or3A_276 : i1
        %or3A_278 = arith.ori %or3A_277, %eq3A_174 : i1
        %convert_element_type3A_279 = arith.extui %or3A_278 : i1 to i32
        %cond3A_280 = arith.constant 0 : i32
        %cond3A_281 = arith.cmpi ne, %convert_element_type3A_279, %cond3A_280 : i32
        scf.if %cond3A_281 {
        } else {
        }
        %rem3A_282 = arith.constant 2 : i32
        %rem3A_283 = arith.remui %scan3A_165, %rem3A_282 : i32
        %mul3A_284 = arith.constant 128 : i32
        %mul3A_285 = arith.muli %rem3A_283, %mul3A_284 : i32
        %rem3A_286 = arith.constant 2 : i32
        %rem3A_287 = arith.remui %scan3A_167, %rem3A_286 : i32
        %mul3A_288 = arith.constant 128 : i32
        %mul3A_289 = arith.muli %rem3A_287, %mul3A_288 : i32
        %rem3A_290 = arith.constant 2 : i32
        %rem3A_291 = arith.remui %scan3A_168, %rem3A_290 : i32
        %rem3A_292 = arith.constant 2 : i32
        %rem3A_293 = arith.remui %scan3A_170, %rem3A_292 : i32
        "tpu.trace_start"() <{level = 10 : i32, message = "ep_run_kernel"}> : () -> ()
        "tpu.region"() ({
          %run_scoped3A_416 = tpu.sem_alloc : memref<!tpu.dma_semaphore, #tpu.memory_space<semaphore_mem>>
          %dma_start3A_417 = arith.constant 0 : i32
          %dma_start3A_418 = arith.constant 0 : i32
          %dma_start3A_419 = tpu.memref_slice %run_scoped3A_10[%rem3A_291, %dma_start3A_417, %dma_start3A_418] : memref<2x128x128xf32, #tpu.memory_space<vmem>> -> memref<1x128x128xf32, #tpu.memory_space<vmem>>
          %dma_start3A_420 = tpu.memref_squeeze %dma_start3A_419 : memref<1x128x128xf32, #tpu.memory_space<vmem>> -> memref<128x128xf32, #tpu.memory_space<vmem>>
          %dma_start3A_421 = tpu.memref_slice %run_scoped3A[%mul3A_285] : memref<256xi32, #tpu.memory_space<vmem>> -> memref<128xi32, #tpu.memory_space<vmem>>
          %dma_start3A_422 = arith.constant 0 : i32
          %dma_start3A_423 = arith.constant 0 : i32
          %dma_start3A_424 = tpu.memref_slice %arg4[%dma_start3A_422, %dma_start3A_423] : memref<1000000x128xf32, #tpu.memory_space<hbm>> -> memref<1000000x128xf32, #tpu.memory_space<hbm>>
          tpu.enqueue_indirect_dma source(%dma_start3A_424 : memref<1000000x128xf32, #tpu.memory_space<hbm>>) target(%dma_start3A_420 : memref<128x128xf32, #tpu.memory_space<vmem>>) offsets(%dma_start3A_421 : memref<128xi32, #tpu.memory_space<vmem>>) semaphore(%run_scoped3A_416 : memref<!tpu.dma_semaphore, #tpu.memory_space<semaphore_mem>>)
          %dma_wait3A_425 = arith.constant 0 : i32
          %dma_wait3A_426 = arith.constant 0 : i32
          %dma_wait3A_427 = tpu.memref_slice %run_scoped3A_10[%rem3A_291, %dma_wait3A_425, %dma_wait3A_426] : memref<2x128x128xf32, #tpu.memory_space<vmem>> -> memref<1x128x128xf32, #tpu.memory_space<vmem>>
          %dma_wait3A_428 = tpu.memref_squeeze %dma_wait3A_427 : memref<1x128x128xf32, #tpu.memory_space<vmem>> -> memref<128x128xf32, #tpu.memory_space<vmem>>
          %dma_wait3A_429 = tpu.memref_slice %run_scoped3A[%mul3A_285] : memref<256xi32, #tpu.memory_space<vmem>> -> memref<128xi32, #tpu.memory_space<vmem>>
          %dma_wait3A_430 = arith.constant 0 : i32
          %dma_wait3A_431 = arith.constant 0 : i32
          %dma_wait3A_432 = tpu.memref_slice %arg4[%dma_wait3A_430, %dma_wait3A_431] : memref<1000000x128xf32, #tpu.memory_space<hbm>> -> memref<1000000x128xf32, #tpu.memory_space<hbm>>
          tpu.wait_indirect_dma semaphore(%run_scoped3A_416 : memref<!tpu.dma_semaphore, #tpu.memory_space<semaphore_mem>>) src(%dma_wait3A_432 : memref<1000000x128xf32, #tpu.memory_space<hbm>>) dst(%dma_wait3A_428 : memref<128x128xf32, #tpu.memory_space<vmem>>)
          tpu.yield
        }) : () -> ()
        "tpu.region"() ({
          %run_scoped3A_416 = tpu.sem_alloc : memref<!tpu.dma_semaphore, #tpu.memory_space<semaphore_mem>>
          %dma_start3A_417 = arith.constant 0 : i32
          %dma_start3A_418 = arith.constant 0 : i32
          %dma_start3A_419 = tpu.memref_slice %run_scoped3A_12[%rem3A_293, %dma_start3A_417, %dma_start3A_418] : memref<2x128x128xf32, #tpu.memory_space<vmem>> -> memref<1x128x128xf32, #tpu.memory_space<vmem>>
          %dma_start3A_420 = tpu.memref_squeeze %dma_start3A_419 : memref<1x128x128xf32, #tpu.memory_space<vmem>> -> memref<128x128xf32, #tpu.memory_space<vmem>>
          %dma_start3A_421 = tpu.memref_slice %run_scoped3A_8[%mul3A_289] : memref<256xi32, #tpu.memory_space<vmem>> -> memref<128xi32, #tpu.memory_space<vmem>>
          %dma_start3A_422 = arith.constant 0 : i32
          %dma_start3A_423 = arith.constant 0 : i32
          %dma_start3A_424 = tpu.memref_slice %arg5[%dma_start3A_422, %dma_start3A_423] : memref<1000000x128xf32, #tpu.memory_space<hbm>> -> memref<1000000x128xf32, #tpu.memory_space<hbm>>
          tpu.enqueue_indirect_dma source(%dma_start3A_424 : memref<1000000x128xf32, #tpu.memory_space<hbm>>) target(%dma_start3A_420 : memref<128x128xf32, #tpu.memory_space<vmem>>) offsets(%dma_start3A_421 : memref<128xi32, #tpu.memory_space<vmem>>) semaphore(%run_scoped3A_416 : memref<!tpu.dma_semaphore, #tpu.memory_space<semaphore_mem>>)
          %dma_wait3A_425 = arith.constant 0 : i32
          %dma_wait3A_426 = arith.constant 0 : i32
          %dma_wait3A_427 = tpu.memref_slice %run_scoped3A_12[%rem3A_293, %dma_wait3A_425, %dma_wait3A_426] : memref<2x128x128xf32, #tpu.memory_space<vmem>> -> memref<1x128x128xf32, #tpu.memory_space<vmem>>
          %dma_wait3A_428 = tpu.memref_squeeze %dma_wait3A_427 : memref<1x128x128xf32, #tpu.memory_space<vmem>> -> memref<128x128xf32, #tpu.memory_space<vmem>>
          %dma_wait3A_429 = tpu.memref_slice %run_scoped3A_8[%mul3A_289] : memref<256xi32, #tpu.memory_space<vmem>> -> memref<128xi32, #tpu.memory_space<vmem>>
          %dma_wait3A_430 = arith.constant 0 : i32
          %dma_wait3A_431 = arith.constant 0 : i32
          %dma_wait3A_432 = tpu.memref_slice %arg5[%dma_wait3A_430, %dma_wait3A_431] : memref<1000000x128xf32, #tpu.memory_space<hbm>> -> memref<1000000x128xf32, #tpu.memory_space<hbm>>
          tpu.wait_indirect_dma semaphore(%run_scoped3A_416 : memref<!tpu.dma_semaphore, #tpu.memory_space<semaphore_mem>>) src(%dma_wait3A_432 : memref<1000000x128xf32, #tpu.memory_space<hbm>>) dst(%dma_wait3A_428 : memref<128x128xf32, #tpu.memory_space<vmem>>)
          tpu.yield
        }) : () -> ()
        "tpu.trace_stop"() : () -> ()
        %ne3A_294 = arith.cmpi ne, %add3A_177, %add3A_195 : i32
        %or3A_295 = arith.constant false
        %or3A_296 = arith.ori %or3A_295, %ne3A_294 : i1
        %or3A_297 = arith.ori %or3A_296, %eq3A_176 : i1
        %convert_element_type3A_298 = arith.extui %or3A_297 : i1 to i32
        %cond3A_299 = arith.constant 0 : i32
        %cond3A_300 = arith.cmpi ne, %convert_element_type3A_298, %cond3A_299 : i32
        scf.if %cond3A_300 {
        } else {
        }
        %and3A_301 = arith.constant false
        %and3A_302 = arith.andi %or3A_297, %and3A_301 : i1
        %ne3A_303 = arith.cmpi ne, %add3A_177, %add3A_195 : i32
        %or3A_304 = arith.constant false
        %or3A_305 = arith.ori %or3A_304, %ne3A_303 : i1
        %or3A_306 = arith.ori %or3A_305, %eq3A_176 : i1
        %convert_element_type3A_307 = arith.extui %or3A_306 : i1 to i32
        %cond3A_308 = arith.constant 0 : i32
        %cond3A_309 = arith.cmpi ne, %convert_element_type3A_307, %cond3A_308 : i32
        scf.if %cond3A_309 {
        } else {
        }
        %and3A_310 = arith.constant false
        %and3A_311 = arith.andi %or3A_306, %and3A_310 : i1
        %ne3A_312 = arith.cmpi ne, %add3A_177, %add3A_195 : i32
        %or3A_313 = arith.constant false
        %or3A_314 = arith.ori %or3A_313, %ne3A_312 : i1
        %or3A_315 = arith.constant false
        %or3A_316 = arith.ori %or3A_314, %or3A_315 : i1
        %or3A_317 = arith.ori %or3A_316, %eq3A_176 : i1
        %convert_element_type3A_318 = arith.extui %or3A_317 : i1 to i32
        %cond3A_319 = arith.constant 0 : i32
        %cond3A_320 = arith.cmpi ne, %convert_element_type3A_318, %cond3A_319 : i32
        scf.if %cond3A_320 {
          "tpu.trace_start"() <{level = 10 : i32, message = "ep_copy_out"}> : () -> ()
          %rem3A_416 = arith.constant 2 : i32
          %rem3A_417 = arith.remui %scan3A_168, %rem3A_416 : i32
          %mul3A_418 = arith.constant 128 : i32
          %mul3A_419 = arith.muli %mul3A_418, %add3A_177 : i32
          %dma_start3A_420 = arith.constant 0 : i32
          %dma_start3A_421 = arith.constant 0 : i32
          %dma_start3A_422 = tpu.memref_slice %run_scoped3A_10[%rem3A_417, %dma_start3A_420, %dma_start3A_421] : memref<2x128x128xf32, #tpu.memory_space<vmem>> -> memref<1x128x128xf32, #tpu.memory_space<vmem>>
          %dma_start3A_423 = tpu.memref_squeeze %dma_start3A_422 : memref<1x128x128xf32, #tpu.memory_space<vmem>> -> memref<128x128xf32, #tpu.memory_space<vmem>>
          %dma_start3A_424 = arith.constant 0 : i32
          %dma_start3A_425 = tpu.memref_slice %arg6[%mul3A_419, %dma_start3A_424] : memref<16384x128xf32, #tpu.memory_space<hbm>> -> memref<128x128xf32, #tpu.memory_space<hbm>>
          %dma_start3A_426 = tpu.memref_slice %run_scoped3A_11[%rem3A_417] : memref<2x!tpu.dma_semaphore, #tpu.memory_space<semaphore_mem>> -> memref<1x!tpu.dma_semaphore, #tpu.memory_space<semaphore_mem>>
          %dma_start3A_427 = tpu.memref_squeeze %dma_start3A_426 : memref<1x!tpu.dma_semaphore, #tpu.memory_space<semaphore_mem>> -> memref<!tpu.dma_semaphore, #tpu.memory_space<semaphore_mem>>
          %dma_start3A_428 = arith.constant 0 : i32
          %dma_start3A_429 = tpu.memref_slice %arg6[%mul3A_419, %dma_start3A_428] : memref<16384x128xf32, #tpu.memory_space<hbm>> -> memref<128x128xf32, #tpu.memory_space<hbm>>
          %dma_start3A_430 = arith.constant 0 : i32
          %dma_start3A_431 = arith.constant 0 : i32
          %dma_start3A_432 = tpu.memref_slice %run_scoped3A_10[%rem3A_417, %dma_start3A_430, %dma_start3A_431] : memref<2x128x128xf32, #tpu.memory_space<vmem>> -> memref<1x128x128xf32, #tpu.memory_space<vmem>>
          %dma_start3A_433 = tpu.memref_squeeze %dma_start3A_432 : memref<1x128x128xf32, #tpu.memory_space<vmem>> -> memref<128x128xf32, #tpu.memory_space<vmem>>
          tpu.enqueue_dma source(%dma_start3A_433 : memref<128x128xf32, #tpu.memory_space<vmem>>) target(%dma_start3A_429 : memref<128x128xf32, #tpu.memory_space<hbm>>) target_semaphore(%dma_start3A_427 : memref<!tpu.dma_semaphore, #tpu.memory_space<semaphore_mem>>)
          "tpu.trace_stop"() : () -> ()
        } else {
        }
        %and3A_321 = arith.constant true
        %and3A_322 = arith.andi %or3A_317, %and3A_321 : i1
        %add3A_323 = arith.constant 1 : i32
        %add3A_324 = arith.addi %scan3A_168, %add3A_323 : i32
        %select_n3A_325 = arith.select %and3A_322, %add3A_324, %scan3A_168 : i32
        %ne3A_326 = arith.cmpi ne, %add3A_177, %add3A_195 : i32
        %or3A_327 = arith.constant false
        %or3A_328 = arith.ori %or3A_327, %ne3A_326 : i1
        %or3A_329 = arith.constant false
        %or3A_330 = arith.ori %or3A_328, %or3A_329 : i1
        %or3A_331 = arith.ori %or3A_330, %eq3A_176 : i1
        %convert_element_type3A_332 = arith.extui %or3A_331 : i1 to i32
        %cond3A_333 = arith.constant 0 : i32
        %cond3A_334 = arith.cmpi ne, %convert_element_type3A_332, %cond3A_333 : i32
        scf.if %cond3A_334 {
          "tpu.trace_start"() <{level = 10 : i32, message = "ep_copy_out"}> : () -> ()
          %rem3A_416 = arith.constant 2 : i32
          %rem3A_417 = arith.remui %scan3A_170, %rem3A_416 : i32
          %mul3A_418 = arith.constant 128 : i32
          %mul3A_419 = arith.muli %mul3A_418, %add3A_177 : i32
          %dma_start3A_420 = arith.constant 0 : i32
          %dma_start3A_421 = arith.constant 0 : i32
          %dma_start3A_422 = tpu.memref_slice %run_scoped3A_12[%rem3A_417, %dma_start3A_420, %dma_start3A_421] : memref<2x128x128xf32, #tpu.memory_space<vmem>> -> memref<1x128x128xf32, #tpu.memory_space<vmem>>
          %dma_start3A_423 = tpu.memref_squeeze %dma_start3A_422 : memref<1x128x128xf32, #tpu.memory_space<vmem>> -> memref<128x128xf32, #tpu.memory_space<vmem>>
          %dma_start3A_424 = arith.constant 0 : i32
          %dma_start3A_425 = tpu.memref_slice %arg7[%mul3A_419, %dma_start3A_424] : memref<16384x128xf32, #tpu.memory_space<hbm>> -> memref<128x128xf32, #tpu.memory_space<hbm>>
          %dma_start3A_426 = tpu.memref_slice %run_scoped3A_13[%rem3A_417] : memref<2x!tpu.dma_semaphore, #tpu.memory_space<semaphore_mem>> -> memref<1x!tpu.dma_semaphore, #tpu.memory_space<semaphore_mem>>
          %dma_start3A_427 = tpu.memref_squeeze %dma_start3A_426 : memref<1x!tpu.dma_semaphore, #tpu.memory_space<semaphore_mem>> -> memref<!tpu.dma_semaphore, #tpu.memory_space<semaphore_mem>>
          %dma_start3A_428 = arith.constant 0 : i32
          %dma_start3A_429 = tpu.memref_slice %arg7[%mul3A_419, %dma_start3A_428] : memref<16384x128xf32, #tpu.memory_space<hbm>> -> memref<128x128xf32, #tpu.memory_space<hbm>>
          %dma_start3A_430 = arith.constant 0 : i32
          %dma_start3A_431 = arith.constant 0 : i32
          %dma_start3A_432 = tpu.memref_slice %run_scoped3A_12[%rem3A_417, %dma_start3A_430, %dma_start3A_431] : memref<2x128x128xf32, #tpu.memory_space<vmem>> -> memref<1x128x128xf32, #tpu.memory_space<vmem>>
          %dma_start3A_433 = tpu.memref_squeeze %dma_start3A_432 : memref<1x128x128xf32, #tpu.memory_space<vmem>> -> memref<128x128xf32, #tpu.memory_space<vmem>>
          tpu.enqueue_dma source(%dma_start3A_433 : memref<128x128xf32, #tpu.memory_space<vmem>>) target(%dma_start3A_429 : memref<128x128xf32, #tpu.memory_space<hbm>>) target_semaphore(%dma_start3A_427 : memref<!tpu.dma_semaphore, #tpu.memory_space<semaphore_mem>>)
          "tpu.trace_stop"() : () -> ()
        } else {
        }
        %and3A_335 = arith.constant true
        %and3A_336 = arith.andi %or3A_331, %and3A_335 : i1
        %add3A_337 = arith.constant 1 : i32
        %add3A_338 = arith.addi %scan3A_170, %add3A_337 : i32
        %select_n3A_339 = arith.select %and3A_336, %add3A_338, %scan3A_170 : i32
        %ne3A_340 = arith.cmpi ne, %add3A_177, %add3A_186 : i32
        %or3A_341 = arith.constant false
        %or3A_342 = arith.ori %or3A_341, %ne3A_340 : i1
        %not3A_343 = arith.constant true
        %not3A_344 = arith.xori %eq3A_174, %not3A_343 : i1
        %and3A_345 = arith.andi %or3A_342, %not3A_344 : i1
        %convert_element_type3A_346 = arith.extui %and3A_345 : i1 to i32
        %cond3A_347 = arith.constant 0 : i32
        %cond3A_348 = arith.cmpi ne, %convert_element_type3A_346, %cond3A_347 : i32
        scf.if %cond3A_348 {
        } else {
        }
        %and3A_349 = arith.constant false
        %and3A_350 = arith.andi %and3A_345, %and3A_349 : i1
        %ne3A_351 = arith.cmpi ne, %add3A_177, %add3A_186 : i32
        %or3A_352 = arith.constant false
        %or3A_353 = arith.ori %or3A_352, %ne3A_351 : i1
        %not3A_354 = arith.constant true
        %not3A_355 = arith.xori %eq3A_174, %not3A_354 : i1
        %and3A_356 = arith.andi %or3A_353, %not3A_355 : i1
        %convert_element_type3A_357 = arith.extui %and3A_356 : i1 to i32
        %cond3A_358 = arith.constant 0 : i32
        %cond3A_359 = arith.cmpi ne, %convert_element_type3A_357, %cond3A_358 : i32
        scf.if %cond3A_359 {
        } else {
        }
        %and3A_360 = arith.constant false
        %and3A_361 = arith.andi %and3A_356, %and3A_360 : i1
        %ne3A_362 = arith.cmpi ne, %add3A_177, %add3A_186 : i32
        %or3A_363 = arith.constant false
        %or3A_364 = arith.ori %or3A_363, %ne3A_362 : i1
        %or3A_365 = arith.constant false
        %or3A_366 = arith.ori %or3A_364, %or3A_365 : i1
        %not3A_367 = arith.constant true
        %not3A_368 = arith.xori %eq3A_174, %not3A_367 : i1
        %and3A_369 = arith.andi %or3A_366, %not3A_368 : i1
        %convert_element_type3A_370 = arith.extui %and3A_369 : i1 to i32
        %cond3A_371 = arith.constant 0 : i32
        %cond3A_372 = arith.cmpi ne, %convert_element_type3A_370, %cond3A_371 : i32
        scf.if %cond3A_372 {
          "tpu.trace_start"() <{level = 10 : i32, message = "ep_wait_out"}> : () -> ()
          %rem3A_416 = arith.constant 2 : i32
          %rem3A_417 = arith.remui %scan3A_169, %rem3A_416 : i32
          %mul3A_418 = arith.constant 128 : i32
          %mul3A_419 = arith.muli %mul3A_418, %add3A_186 : i32
          %dma_wait3A_420 = arith.constant 0 : i32
          %dma_wait3A_421 = arith.constant 0 : i32
          %dma_wait3A_422 = tpu.memref_slice %run_scoped3A_10[%rem3A_417, %dma_wait3A_420, %dma_wait3A_421] : memref<2x128x128xf32, #tpu.memory_space<vmem>> -> memref<1x128x128xf32, #tpu.memory_space<vmem>>
          %dma_wait3A_423 = tpu.memref_squeeze %dma_wait3A_422 : memref<1x128x128xf32, #tpu.memory_space<vmem>> -> memref<128x128xf32, #tpu.memory_space<vmem>>
          %dma_wait3A_424 = arith.constant 0 : i32
          %dma_wait3A_425 = tpu.memref_slice %arg6[%mul3A_419, %dma_wait3A_424] : memref<16384x128xf32, #tpu.memory_space<hbm>> -> memref<128x128xf32, #tpu.memory_space<hbm>>
          %dma_wait3A_426 = tpu.memref_slice %run_scoped3A_11[%rem3A_417] : memref<2x!tpu.dma_semaphore, #tpu.memory_space<semaphore_mem>> -> memref<1x!tpu.dma_semaphore, #tpu.memory_space<semaphore_mem>>
          %dma_wait3A_427 = tpu.memref_squeeze %dma_wait3A_426 : memref<1x!tpu.dma_semaphore, #tpu.memory_space<semaphore_mem>> -> memref<!tpu.dma_semaphore, #tpu.memory_space<semaphore_mem>>
          %dma_wait3A_428 = arith.constant 0 : i32
          %dma_wait3A_429 = tpu.memref_slice %arg6[%mul3A_419, %dma_wait3A_428] : memref<16384x128xf32, #tpu.memory_space<hbm>> -> memref<128x128xf32, #tpu.memory_space<hbm>>
          %dma_wait3A_430 = arith.constant 0 : i32
          %dma_wait3A_431 = arith.constant 0 : i32
          %dma_wait3A_432 = tpu.memref_slice %run_scoped3A_10[%rem3A_417, %dma_wait3A_430, %dma_wait3A_431] : memref<2x128x128xf32, #tpu.memory_space<vmem>> -> memref<1x128x128xf32, #tpu.memory_space<vmem>>
          %dma_wait3A_433 = tpu.memref_squeeze %dma_wait3A_432 : memref<1x128x128xf32, #tpu.memory_space<vmem>> -> memref<128x128xf32, #tpu.memory_space<vmem>>
          tpu.wait_dma2 semaphore(%dma_wait3A_427 : memref<!tpu.dma_semaphore, #tpu.memory_space<semaphore_mem>>) src(%dma_wait3A_433 : memref<128x128xf32, #tpu.memory_space<vmem>>) dst(%dma_wait3A_429 : memref<128x128xf32, #tpu.memory_space<hbm>>)
          "tpu.trace_stop"() : () -> ()
        } else {
        }
        %and3A_373 = arith.constant true
        %and3A_374 = arith.andi %and3A_369, %and3A_373 : i1
        %add3A_375 = arith.constant 1 : i32
        %add3A_376 = arith.addi %scan3A_169, %add3A_375 : i32
        %select_n3A_377 = arith.select %and3A_374, %add3A_376, %scan3A_169 : i32
        %ne3A_378 = arith.cmpi ne, %add3A_177, %add3A_186 : i32
        %or3A_379 = arith.constant false
        %or3A_380 = arith.ori %or3A_379, %ne3A_378 : i1
        %or3A_381 = arith.constant false
        %or3A_382 = arith.ori %or3A_380, %or3A_381 : i1
        %not3A_383 = arith.constant true
        %not3A_384 = arith.xori %eq3A_174, %not3A_383 : i1
        %and3A_385 = arith.andi %or3A_382, %not3A_384 : i1
        %convert_element_type3A_386 = arith.extui %and3A_385 : i1 to i32
        %cond3A_387 = arith.constant 0 : i32
        %cond3A_388 = arith.cmpi ne, %convert_element_type3A_386, %cond3A_387 : i32
        scf.if %cond3A_388 {
          "tpu.trace_start"() <{level = 10 : i32, message = "ep_wait_out"}> : () -> ()
          %rem3A_416 = arith.constant 2 : i32
          %rem3A_417 = arith.remui %scan3A_171, %rem3A_416 : i32
          %mul3A_418 = arith.constant 128 : i32
          %mul3A_419 = arith.muli %mul3A_418, %add3A_186 : i32
          %dma_wait3A_420 = arith.constant 0 : i32
          %dma_wait3A_421 = arith.constant 0 : i32
          %dma_wait3A_422 = tpu.memref_slice %run_scoped3A_12[%rem3A_417, %dma_wait3A_420, %dma_wait3A_421] : memref<2x128x128xf32, #tpu.memory_space<vmem>> -> memref<1x128x128xf32, #tpu.memory_space<vmem>>
          %dma_wait3A_423 = tpu.memref_squeeze %dma_wait3A_422 : memref<1x128x128xf32, #tpu.memory_space<vmem>> -> memref<128x128xf32, #tpu.memory_space<vmem>>
          %dma_wait3A_424 = arith.constant 0 : i32
          %dma_wait3A_425 = tpu.memref_slice %arg7[%mul3A_419, %dma_wait3A_424] : memref<16384x128xf32, #tpu.memory_space<hbm>> -> memref<128x128xf32, #tpu.memory_space<hbm>>
          %dma_wait3A_426 = tpu.memref_slice %run_scoped3A_13[%rem3A_417] : memref<2x!tpu.dma_semaphore, #tpu.memory_space<semaphore_mem>> -> memref<1x!tpu.dma_semaphore, #tpu.memory_space<semaphore_mem>>
          %dma_wait3A_427 = tpu.memref_squeeze %dma_wait3A_426 : memref<1x!tpu.dma_semaphore, #tpu.memory_space<semaphore_mem>> -> memref<!tpu.dma_semaphore, #tpu.memory_space<semaphore_mem>>
          %dma_wait3A_428 = arith.constant 0 : i32
          %dma_wait3A_429 = tpu.memref_slice %arg7[%mul3A_419, %dma_wait3A_428] : memref<16384x128xf32, #tpu.memory_space<hbm>> -> memref<128x128xf32, #tpu.memory_space<hbm>>
          %dma_wait3A_430 = arith.constant 0 : i32
          %dma_wait3A_431 = arith.constant 0 : i32
          %dma_wait3A_432 = tpu.memref_slice %run_scoped3A_12[%rem3A_417, %dma_wait3A_430, %dma_wait3A_431] : memref<2x128x128xf32, #tpu.memory_space<vmem>> -> memref<1x128x128xf32, #tpu.memory_space<vmem>>
          %dma_wait3A_433 = tpu.memref_squeeze %dma_wait3A_432 : memref<1x128x128xf32, #tpu.memory_space<vmem>> -> memref<128x128xf32, #tpu.memory_space<vmem>>
          tpu.wait_dma2 semaphore(%dma_wait3A_427 : memref<!tpu.dma_semaphore, #tpu.memory_space<semaphore_mem>>) src(%dma_wait3A_433 : memref<128x128xf32, #tpu.memory_space<vmem>>) dst(%dma_wait3A_429 : memref<128x128xf32, #tpu.memory_space<hbm>>)
          "tpu.trace_stop"() : () -> ()
        } else {
        }
        %and3A_389 = arith.constant true
        %and3A_390 = arith.andi %and3A_385, %and3A_389 : i1
        %add3A_391 = arith.constant 1 : i32
        %add3A_392 = arith.addi %scan3A_171, %add3A_391 : i32
        %select_n3A_393 = arith.select %and3A_390, %add3A_392, %scan3A_171 : i32
        %ne3A_394 = arith.cmpi ne, %add3A_177, %add3A_195 : i32
        %or3A_395 = arith.constant false
        %or3A_396 = arith.ori %or3A_395, %ne3A_394 : i1
        %or3A_397 = arith.ori %or3A_396, %eq3A_176 : i1
        %add3A_398 = arith.constant 1 : i32
        %add3A_399 = arith.addi %scan3A_165, %add3A_398 : i32
        %select_n3A_400 = arith.select %or3A_397, %add3A_399, %scan3A_165 : i32
        %ne3A_401 = arith.cmpi ne, %add3A_177, %add3A_195 : i32
        %or3A_402 = arith.constant false
        %or3A_403 = arith.ori %or3A_402, %ne3A_401 : i1
        %or3A_404 = arith.ori %or3A_403, %eq3A_176 : i1
        %add3A_405 = arith.constant 1 : i32
        %add3A_406 = arith.addi %scan3A_167, %add3A_405 : i32
        %select_n3A_407 = arith.select %or3A_404, %add3A_406, %scan3A_167 : i32
        %add3A_408 = arith.constant 1 : i32
        %add3A_409 = arith.addi %scan3A_172, %add3A_408 : i32
        %select_n3A_410 = arith.constant true
        %select_n3A_411 = arith.select %select_n3A_410, %add3A_409, %scan3A_172 : i32
        %eq3A_412 = arith.constant 4 : i32
        %eq3A_413 = arith.cmpi eq, %select_n3A_411, %eq3A_412 : i32
        %select_n3A_414 = arith.constant 0 : i32
        %select_n3A_415 = arith.select %eq3A_413, %select_n3A_414, %select_n3A_411 : i32
        scf.yield %select_n3A_213, %select_n3A_400, %select_n3A_229, %select_n3A_407, %select_n3A_325, %select_n3A_377, %select_n3A_339, %select_n3A_393, %select_n3A_415 : i32, i32, i32, i32, i32, i32, i32, i32, i32
      }
      %scan3A_92 = arith.constant 4 : i32
      %sub3A = arith.constant 1 : i32
      %sub3A_93 = arith.subi %scan3A_91#8, %sub3A : i32
      %select_n3A_94 = arith.constant true
      %select_n3A_95 = arith.select %select_n3A_94, %sub3A_93, %scan3A_91#8 : i32
      %eq3A_96 = arith.constant -1 : i32
      %eq3A_97 = arith.cmpi eq, %select_n3A_95, %eq3A_96 : i32
      %select_n3A_98 = arith.constant 3 : i32
      %select_n3A_99 = arith.select %eq3A_97, %select_n3A_98, %select_n3A_95 : i32
      %add3A_100 = arith.addi %select_n3A_99, %mul3A_6 : i32
      %sub3A_101 = arith.constant 1 : i32
      %sub3A_102 = arith.subi %select_n3A_99, %sub3A_101 : i32
      %select_n3A_103 = arith.constant true
      %select_n3A_104 = arith.select %select_n3A_103, %sub3A_102, %select_n3A_99 : i32
      %eq3A_105 = arith.constant -1 : i32
      %eq3A_106 = arith.cmpi eq, %select_n3A_104, %eq3A_105 : i32
      %select_n3A_107 = arith.constant 3 : i32
      %select_n3A_108 = arith.select %eq3A_106, %select_n3A_107, %select_n3A_104 : i32
      %add3A_109 = arith.addi %select_n3A_108, %mul3A_6 : i32
      %add3A_110 = arith.constant 1 : i32
      %add3A_111 = arith.addi %select_n3A_99, %add3A_110 : i32
      %select_n3A_112 = arith.constant true
      %select_n3A_113 = arith.select %select_n3A_112, %add3A_111, %select_n3A_99 : i32
      %eq3A_114 = arith.constant 4 : i32
      %eq3A_115 = arith.cmpi eq, %select_n3A_113, %eq3A_114 : i32
      %select_n3A_116 = arith.constant 0 : i32
      %select_n3A_117 = arith.select %eq3A_115, %select_n3A_116, %select_n3A_113 : i32
      %add3A_118 = arith.addi %select_n3A_117, %mul3A_6 : i32
      %add3A_119 = arith.constant 1 : i32
      %add3A_120 = arith.addi %select_n3A_117, %add3A_119 : i32
      %select_n3A_121 = arith.constant true
      %select_n3A_122 = arith.select %select_n3A_121, %add3A_120, %select_n3A_117 : i32
      %eq3A_123 = arith.constant 4 : i32
      %eq3A_124 = arith.cmpi eq, %select_n3A_122, %eq3A_123 : i32
      %select_n3A_125 = arith.constant 0 : i32
      %select_n3A_126 = arith.select %eq3A_124, %select_n3A_125, %select_n3A_122 : i32
      %add3A_127 = arith.addi %select_n3A_126, %mul3A_6 : i32
      "tpu.trace_start"() <{level = 10 : i32, message = "ep_finalize"}> : () -> ()
      %rem3A_128 = arith.constant 2 : i32
      %rem3A_129 = arith.remui %scan3A_91#5, %rem3A_128 : i32
      %mul3A_130 = arith.constant 128 : i32
      %mul3A_131 = arith.muli %mul3A_130, %add3A_100 : i32
      %dma_wait3A = arith.constant 0 : i32
      %dma_wait3A_132 = arith.constant 0 : i32
      %dma_wait3A_133 = tpu.memref_slice %run_scoped3A_10[%rem3A_129, %dma_wait3A, %dma_wait3A_132] : memref<2x128x128xf32, #tpu.memory_space<vmem>> -> memref<1x128x128xf32, #tpu.memory_space<vmem>>
      %dma_wait3A_134 = tpu.memref_squeeze %dma_wait3A_133 : memref<1x128x128xf32, #tpu.memory_space<vmem>> -> memref<128x128xf32, #tpu.memory_space<vmem>>
      %dma_wait3A_135 = arith.constant 0 : i32
      %dma_wait3A_136 = tpu.memref_slice %arg6[%mul3A_131, %dma_wait3A_135] : memref<16384x128xf32, #tpu.memory_space<hbm>> -> memref<128x128xf32, #tpu.memory_space<hbm>>
      %dma_wait3A_137 = tpu.memref_slice %run_scoped3A_11[%rem3A_129] : memref<2x!tpu.dma_semaphore, #tpu.memory_space<semaphore_mem>> -> memref<1x!tpu.dma_semaphore, #tpu.memory_space<semaphore_mem>>
      %dma_wait3A_138 = tpu.memref_squeeze %dma_wait3A_137 : memref<1x!tpu.dma_semaphore, #tpu.memory_space<semaphore_mem>> -> memref<!tpu.dma_semaphore, #tpu.memory_space<semaphore_mem>>
      %dma_wait3A_139 = arith.constant 0 : i32
      %dma_wait3A_140 = tpu.memref_slice %arg6[%mul3A_131, %dma_wait3A_139] : memref<16384x128xf32, #tpu.memory_space<hbm>> -> memref<128x128xf32, #tpu.memory_space<hbm>>
      %dma_wait3A_141 = arith.constant 0 : i32
      %dma_wait3A_142 = arith.constant 0 : i32
      %dma_wait3A_143 = tpu.memref_slice %run_scoped3A_10[%rem3A_129, %dma_wait3A_141, %dma_wait3A_142] : memref<2x128x128xf32, #tpu.memory_space<vmem>> -> memref<1x128x128xf32, #tpu.memory_space<vmem>>
      %dma_wait3A_144 = tpu.memref_squeeze %dma_wait3A_143 : memref<1x128x128xf32, #tpu.memory_space<vmem>> -> memref<128x128xf32, #tpu.memory_space<vmem>>
      tpu.wait_dma2 semaphore(%dma_wait3A_138 : memref<!tpu.dma_semaphore, #tpu.memory_space<semaphore_mem>>) src(%dma_wait3A_144 : memref<128x128xf32, #tpu.memory_space<vmem>>) dst(%dma_wait3A_140 : memref<128x128xf32, #tpu.memory_space<hbm>>)
      %rem3A_145 = arith.constant 2 : i32
      %rem3A_146 = arith.remui %scan3A_91#7, %rem3A_145 : i32
      %mul3A_147 = arith.constant 128 : i32
      %mul3A_148 = arith.muli %mul3A_147, %add3A_100 : i32
      %dma_wait3A_149 = arith.constant 0 : i32
      %dma_wait3A_150 = arith.constant 0 : i32
      %dma_wait3A_151 = tpu.memref_slice %run_scoped3A_12[%rem3A_146, %dma_wait3A_149, %dma_wait3A_150] : memref<2x128x128xf32, #tpu.memory_space<vmem>> -> memref<1x128x128xf32, #tpu.memory_space<vmem>>
      %dma_wait3A_152 = tpu.memref_squeeze %dma_wait3A_151 : memref<1x128x128xf32, #tpu.memory_space<vmem>> -> memref<128x128xf32, #tpu.memory_space<vmem>>
      %dma_wait3A_153 = arith.constant 0 : i32
      %dma_wait3A_154 = tpu.memref_slice %arg7[%mul3A_148, %dma_wait3A_153] : memref<16384x128xf32, #tpu.memory_space<hbm>> -> memref<128x128xf32, #tpu.memory_space<hbm>>
      %dma_wait3A_155 = tpu.memref_slice %run_scoped3A_13[%rem3A_146] : memref<2x!tpu.dma_semaphore, #tpu.memory_space<semaphore_mem>> -> memref<1x!tpu.dma_semaphore, #tpu.memory_space<semaphore_mem>>
      %dma_wait3A_156 = tpu.memref_squeeze %dma_wait3A_155 : memref<1x!tpu.dma_semaphore, #tpu.memory_space<semaphore_mem>> -> memref<!tpu.dma_semaphore, #tpu.memory_space<semaphore_mem>>
      %dma_wait3A_157 = arith.constant 0 : i32
      %dma_wait3A_158 = tpu.memref_slice %arg7[%mul3A_148, %dma_wait3A_157] : memref<16384x128xf32, #tpu.memory_space<hbm>> -> memref<128x128xf32, #tpu.memory_space<hbm>>
      %dma_wait3A_159 = arith.constant 0 : i32
      %dma_wait3A_160 = arith.constant 0 : i32
      %dma_wait3A_161 = tpu.memref_slice %run_scoped3A_12[%rem3A_146, %dma_wait3A_159, %dma_wait3A_160] : memref<2x128x128xf32, #tpu.memory_space<vmem>> -> memref<1x128x128xf32, #tpu.memory_space<vmem>>
      %dma_wait3A_162 = tpu.memref_squeeze %dma_wait3A_161 : memref<1x128x128xf32, #tpu.memory_space<vmem>> -> memref<128x128xf32, #tpu.memory_space<vmem>>
      tpu.wait_dma2 semaphore(%dma_wait3A_156 : memref<!tpu.dma_semaphore, #tpu.memory_space<semaphore_mem>>) src(%dma_wait3A_162 : memref<128x128xf32, #tpu.memory_space<vmem>>) dst(%dma_wait3A_158 : memref<128x128xf32, #tpu.memory_space<hbm>>)
      "tpu.trace_stop"() : () -> ()
      tpu.yield
    }) : () -> ()
    return
  }
}

module attributes {stable_mosaic.version = 14 : i64} {
  func.func @_dense_body(%arg0: i32, %arg1: memref<4096x128xf32, #tpu.memory_space<vmem>>, %arg2: memref<4096x128xf32, #tpu.memory_space<vmem>>, %arg3: memref<4096x32xf32, #tpu.memory_space<vmem>>, %arg4: memref<4096x32xf32, #tpu.memory_space<vmem>>, %arg5: memref<128x128xf32, #tpu.memory_space<vmem>>, %arg6: memref<128x128xf32, #tpu.memory_space<vmem>>, %arg7: memref<1x128xf32, #tpu.memory_space<vmem>>, %arg8: memref<128x64xf32, #tpu.memory_space<vmem>>, %arg9: memref<1x64xf32, #tpu.memory_space<vmem>>, %arg10: memref<64x32xf32, #tpu.memory_space<vmem>>, %arg11: memref<1x32xf32, #tpu.memory_space<vmem>>, %arg12: memref<32x1xf32, #tpu.memory_space<vmem>>, %arg13: memref<32x1xf32, #tpu.memory_space<vmem>>, %arg14: memref<1x1xf32, #tpu.memory_space<vmem>>, %arg15: memref<4096x1xf32, #tpu.memory_space<vmem>>) attributes {dimension_semantics = [#tpu.dimension_semantics<arbitrary>], iteration_bounds = array<i64: 4>, scalar_prefetch = 0 : i64, scratch_operands = 0 : i64, tpu.core_type = #tpu.core_type<tc>, window_params = [{transform_indices = @transform_0, window_bounds = array<i64: 4096, 128>}, {transform_indices = @transform_1, window_bounds = array<i64: 4096, 128>}, {transform_indices = @transform_2, window_bounds = array<i64: 4096, 32>}, {transform_indices = @transform_3, window_bounds = array<i64: 4096, 32>}, {pipeline_mode = #tpu.pipeline_mode<synchronous>, transform_indices = @transform_4, window_bounds = array<i64: 128, 128>}, {pipeline_mode = #tpu.pipeline_mode<synchronous>, transform_indices = @transform_5, window_bounds = array<i64: 128, 128>}, {pipeline_mode = #tpu.pipeline_mode<synchronous>, transform_indices = @transform_6, window_bounds = array<i64: 1, 128>}, {pipeline_mode = #tpu.pipeline_mode<synchronous>, transform_indices = @transform_7, window_bounds = array<i64: 128, 64>}, {pipeline_mode = #tpu.pipeline_mode<synchronous>, transform_indices = @transform_8, window_bounds = array<i64: 1, 64>}, {pipeline_mode = #tpu.pipeline_mode<synchronous>, transform_indices = @transform_9, window_bounds = array<i64: 64, 32>}, {pipeline_mode = #tpu.pipeline_mode<synchronous>, transform_indices = @transform_10, window_bounds = array<i64: 1, 32>}, {pipeline_mode = #tpu.pipeline_mode<synchronous>, transform_indices = @transform_11, window_bounds = array<i64: 32, 1>}, {pipeline_mode = #tpu.pipeline_mode<synchronous>, transform_indices = @transform_12, window_bounds = array<i64: 32, 1>}, {pipeline_mode = #tpu.pipeline_mode<synchronous>, transform_indices = @transform_13, window_bounds = array<i64: 1, 1>}, {transform_indices = @transform_14, window_bounds = array<i64: 4096, 1>}]} {
    %get3A = arith.constant 0 : index
    %get3A_0 = arith.constant 0 : index
    %get3A_1 = vector.load %arg1[%get3A, %get3A_0] : memref<4096x128xf32, #tpu.memory_space<vmem>>, vector<4096x128xf32>
    %get3A_2 = arith.constant 0 : index
    %get3A_3 = arith.constant 0 : index
    %get3A_4 = vector.load %arg5[%get3A_2, %get3A_3] : memref<128x128xf32, #tpu.memory_space<vmem>>, vector<128x128xf32>
    %dot_general3A = arith.constant dense<0.000000e+00> : vector<4096x128xf32>
    %dot_general3A_5 = tpu.matmul %get3A_1, %get3A_4, %dot_general3A {dimension_numbers = #tpu.dot_dimension_numbers<[1], [0], [0], [1], [0, 0, 1, 1], [], []>, transpose_lhs_hint = false} : vector<4096x128xf32>, vector<128x128xf32>, vector<4096x128xf32> -> vector<4096x128xf32>
    %get3A_6 = arith.constant 0 : index
    %get3A_7 = arith.constant 0 : index
    %get3A_8 = vector.load %arg2[%get3A_6, %get3A_7] : memref<4096x128xf32, #tpu.memory_space<vmem>>, vector<4096x128xf32>
    %get3A_9 = arith.constant 0 : index
    %get3A_10 = arith.constant 0 : index
    %get3A_11 = vector.load %arg6[%get3A_9, %get3A_10] : memref<128x128xf32, #tpu.memory_space<vmem>>, vector<128x128xf32>
    %dot_general3A_12 = arith.constant dense<0.000000e+00> : vector<4096x128xf32>
    %dot_general3A_13 = tpu.matmul %get3A_8, %get3A_11, %dot_general3A_12 {dimension_numbers = #tpu.dot_dimension_numbers<[1], [0], [0], [1], [0, 0, 1, 1], [], []>, transpose_lhs_hint = false} : vector<4096x128xf32>, vector<128x128xf32>, vector<4096x128xf32> -> vector<4096x128xf32>
    %add3A = arith.addf %dot_general3A_5, %dot_general3A_13 : vector<4096x128xf32>
    %get3A_14 = arith.constant 0 : index
    %get3A_15 = arith.constant 0 : index
    %get3A_16 = vector.load %arg7[%get3A_14, %get3A_15] : memref<1x128xf32, #tpu.memory_space<vmem>>, vector<1x128xf32>
    %add3A_17 = vector.broadcast %get3A_16 : vector<1x128xf32> to vector<4096x128xf32>
    %add3A_18 = arith.addf %add3A, %add3A_17 : vector<4096x128xf32>
    %max3A = arith.constant 0.000000e+00 : f32
    %max3A_19 = vector.broadcast %max3A : f32 to vector<4096x128xf32>
    %max3A_20 = arith.maximumf %add3A_18, %max3A_19 : vector<4096x128xf32>
    %get3A_21 = arith.constant 0 : index
    %get3A_22 = arith.constant 0 : index
    %get3A_23 = vector.load %arg8[%get3A_21, %get3A_22] : memref<128x64xf32, #tpu.memory_space<vmem>>, vector<128x64xf32>
    %dot_general3A_24 = arith.constant dense<0.000000e+00> : vector<4096x64xf32>
    %dot_general3A_25 = tpu.matmul %max3A_20, %get3A_23, %dot_general3A_24 {dimension_numbers = #tpu.dot_dimension_numbers<[1], [0], [0], [1], [0, 0, 1, 1], [], []>, transpose_lhs_hint = false} : vector<4096x128xf32>, vector<128x64xf32>, vector<4096x64xf32> -> vector<4096x64xf32>
    %get3A_26 = arith.constant 0 : index
    %get3A_27 = arith.constant 0 : index
    %get3A_28 = vector.load %arg9[%get3A_26, %get3A_27] : memref<1x64xf32, #tpu.memory_space<vmem>>, vector<1x64xf32>
    %add3A_29 = vector.broadcast %get3A_28 : vector<1x64xf32> to vector<4096x64xf32>
    %add3A_30 = arith.addf %dot_general3A_25, %add3A_29 : vector<4096x64xf32>
    %max3A_31 = arith.constant 0.000000e+00 : f32
    %max3A_32 = vector.broadcast %max3A_31 : f32 to vector<4096x64xf32>
    %max3A_33 = arith.maximumf %add3A_30, %max3A_32 : vector<4096x64xf32>
    %get3A_34 = arith.constant 0 : index
    %get3A_35 = arith.constant 0 : index
    %get3A_36 = vector.load %arg10[%get3A_34, %get3A_35] : memref<64x32xf32, #tpu.memory_space<vmem>>, vector<64x32xf32>
    %dot_general3A_37 = arith.constant dense<0.000000e+00> : vector<4096x32xf32>
    %dot_general3A_38 = tpu.matmul %max3A_33, %get3A_36, %dot_general3A_37 {dimension_numbers = #tpu.dot_dimension_numbers<[1], [0], [0], [1], [0, 0, 1, 1], [], []>, transpose_lhs_hint = false} : vector<4096x64xf32>, vector<64x32xf32>, vector<4096x32xf32> -> vector<4096x32xf32>
    %get3A_39 = arith.constant 0 : index
    %get3A_40 = arith.constant 0 : index
    %get3A_41 = vector.load %arg11[%get3A_39, %get3A_40] : memref<1x32xf32, #tpu.memory_space<vmem>>, vector<1x32xf32>
    %add3A_42 = vector.broadcast %get3A_41 : vector<1x32xf32> to vector<4096x32xf32>
    %add3A_43 = arith.addf %dot_general3A_38, %add3A_42 : vector<4096x32xf32>
    %max3A_44 = arith.constant 0.000000e+00 : f32
    %max3A_45 = vector.broadcast %max3A_44 : f32 to vector<4096x32xf32>
    %max3A_46 = arith.maximumf %add3A_43, %max3A_45 : vector<4096x32xf32>
    %get3A_47 = arith.constant 0 : index
    %get3A_48 = arith.constant 0 : index
    %get3A_49 = vector.load %arg3[%get3A_47, %get3A_48] : memref<4096x32xf32, #tpu.memory_space<vmem>>, vector<4096x32xf32>
    %get3A_50 = arith.constant 0 : index
    %get3A_51 = arith.constant 0 : index
    %get3A_52 = vector.load %arg4[%get3A_50, %get3A_51] : memref<4096x32xf32, #tpu.memory_space<vmem>>, vector<4096x32xf32>
    %mul3A = arith.mulf %get3A_49, %get3A_52 : vector<4096x32xf32>
    %get3A_53 = arith.constant 0 : index
    %get3A_54 = arith.constant 0 : index
    %get3A_55 = vector.load %arg12[%get3A_53, %get3A_54] : memref<32x1xf32, #tpu.memory_space<vmem>>, vector<32x1xf32>
    %dot_general3A_56 = arith.constant dense<0.000000e+00> : vector<4096x1xf32>
    %dot_general3A_57 = tpu.matmul %mul3A, %get3A_55, %dot_general3A_56 {dimension_numbers = #tpu.dot_dimension_numbers<[1], [0], [0], [1], [0, 0, 1, 1], [], []>, transpose_lhs_hint = false} : vector<4096x32xf32>, vector<32x1xf32>, vector<4096x1xf32> -> vector<4096x1xf32>
    %get3A_58 = arith.constant 0 : index
    %get3A_59 = arith.constant 0 : index
    %get3A_60 = vector.load %arg13[%get3A_58, %get3A_59] : memref<32x1xf32, #tpu.memory_space<vmem>>, vector<32x1xf32>
    %dot_general3A_61 = arith.constant dense<0.000000e+00> : vector<4096x1xf32>
    %dot_general3A_62 = tpu.matmul %max3A_46, %get3A_60, %dot_general3A_61 {dimension_numbers = #tpu.dot_dimension_numbers<[1], [0], [0], [1], [0, 0, 1, 1], [], []>, transpose_lhs_hint = false} : vector<4096x32xf32>, vector<32x1xf32>, vector<4096x1xf32> -> vector<4096x1xf32>
    %add3A_63 = arith.addf %dot_general3A_57, %dot_general3A_62 : vector<4096x1xf32>
    %get3A_64 = arith.constant 0 : index
    %get3A_65 = arith.constant 0 : index
    %get3A_66 = vector.load %arg14[%get3A_64, %get3A_65] : memref<1x1xf32, #tpu.memory_space<vmem>>, vector<1x1xf32>
    %get3A_67 = vector.extract %get3A_66[0, 0] : f32 from vector<1x1xf32>
    %add3A_68 = vector.broadcast %get3A_67 : f32 to vector<4096x1xf32>
    %add3A_69 = arith.addf %add3A_63, %add3A_68 : vector<4096x1xf32>
    %swap3A = arith.constant 0 : index
    %swap3A_70 = arith.constant 0 : index
    %swap3A_71 = vector.load %arg15[%swap3A, %swap3A_70] : memref<4096x1xf32, #tpu.memory_space<vmem>>, vector<4096x1xf32>
    tpu.vector_store %arg15[%swap3A, %swap3A_70], %add3A_69 {strides = array<i32>} : memref<4096x1xf32, #tpu.memory_space<vmem>>, vector<4096x1xf32>,
    return
  }
  func.func @transform_0(%arg0: i32) -> (i32, i32) {
    %c0_i32 = arith.constant 0 : i32
    %c0_i32_0 = arith.constant 0 : i32
    return %arg0, %c0_i32 : i32, i32
  }
  func.func @transform_1(%arg0: i32) -> (i32, i32) {
    %c0_i32 = arith.constant 0 : i32
    %c0_i32_0 = arith.constant 0 : i32
    return %arg0, %c0_i32 : i32, i32
  }
  func.func @transform_2(%arg0: i32) -> (i32, i32) {
    %c0_i32 = arith.constant 0 : i32
    %c0_i32_0 = arith.constant 0 : i32
    return %arg0, %c0_i32 : i32, i32
  }
  func.func @transform_3(%arg0: i32) -> (i32, i32) {
    %c0_i32 = arith.constant 0 : i32
    %c0_i32_0 = arith.constant 0 : i32
    return %arg0, %c0_i32 : i32, i32
  }
  func.func @transform_4(%arg0: i32) -> (i32, i32) {
    %c0_i32 = arith.constant 0 : i32
    %c0_i32_0 = arith.constant 0 : i32
    %c0_i32_1 = arith.constant 0 : i32
    return %c0_i32, %c0_i32_0 : i32, i32
  }
  func.func @transform_5(%arg0: i32) -> (i32, i32) {
    %c0_i32 = arith.constant 0 : i32
    %c0_i32_0 = arith.constant 0 : i32
    %c0_i32_1 = arith.constant 0 : i32
    return %c0_i32, %c0_i32_0 : i32, i32
  }
  func.func @transform_6(%arg0: i32) -> (i32, i32) {
    %c0_i32 = arith.constant 0 : i32
    %c0_i32_0 = arith.constant 0 : i32
    %c0_i32_1 = arith.constant 0 : i32
    return %c0_i32, %c0_i32_0 : i32, i32
  }
  func.func @transform_7(%arg0: i32) -> (i32, i32) {
    %c0_i32 = arith.constant 0 : i32
    %c0_i32_0 = arith.constant 0 : i32
    %c0_i32_1 = arith.constant 0 : i32
    return %c0_i32, %c0_i32_0 : i32, i32
  }
  func.func @transform_8(%arg0: i32) -> (i32, i32) {
    %c0_i32 = arith.constant 0 : i32
    %c0_i32_0 = arith.constant 0 : i32
    %c0_i32_1 = arith.constant 0 : i32
    return %c0_i32, %c0_i32_0 : i32, i32
  }
  func.func @transform_9(%arg0: i32) -> (i32, i32) {
    %c0_i32 = arith.constant 0 : i32
    %c0_i32_0 = arith.constant 0 : i32
    %c0_i32_1 = arith.constant 0 : i32
    return %c0_i32, %c0_i32_0 : i32, i32
  }
  func.func @transform_10(%arg0: i32) -> (i32, i32) {
    %c0_i32 = arith.constant 0 : i32
    %c0_i32_0 = arith.constant 0 : i32
    %c0_i32_1 = arith.constant 0 : i32
    return %c0_i32, %c0_i32_0 : i32, i32
  }
  func.func @transform_11(%arg0: i32) -> (i32, i32) {
    %c0_i32 = arith.constant 0 : i32
    %c0_i32_0 = arith.constant 0 : i32
    %c0_i32_1 = arith.constant 0 : i32
    return %c0_i32, %c0_i32_0 : i32, i32
  }
  func.func @transform_12(%arg0: i32) -> (i32, i32) {
    %c0_i32 = arith.constant 0 : i32
    %c0_i32_0 = arith.constant 0 : i32
    %c0_i32_1 = arith.constant 0 : i32
    return %c0_i32, %c0_i32_0 : i32, i32
  }
  func.func @transform_13(%arg0: i32) -> (i32, i32) {
    %c0_i32 = arith.constant 0 : i32
    %c0_i32_0 = arith.constant 0 : i32
    %c0_i32_1 = arith.constant 0 : i32
    return %c0_i32, %c0_i32_0 : i32, i32
  }
  func.func @transform_14(%arg0: i32) -> (i32, i32) {
    %c0_i32 = arith.constant 0 : i32
    %c0_i32_0 = arith.constant 0 : i32
    return %arg0, %c0_i32 : i32, i32
  }
}

</mosaic_0001>

<sc_bundles>
// kernel: gather_offload_async_start.1
scs
__scs_entry_jumppad:
0x0: {  	(pc) =	sbr.rel $0x88, $3  }
0x1: {  	(tag) =	ssettag $0x0;
	lr =	simm.s32 $0x1  }
0x2: {  	[smem:$0x3F93] =	sst lr;
	_ =	strace $0xD0000000  }
0x3: {  	_ = 	snop  }
0x4: {  	_ = 	snop  }
0x5: {  	_ = 	snop  }
0x6: {  	_ = 	snop  }
0x7: {  	_ = 	snop  }
__scs_overlays_trampoline_lowered:
0x8: {  	[smem:$0x3FA2] =	sst s0  }
0x9: {  	[smem:$0x3FA3] =	sst s1  }
0xa: {  	[smem:$0x3FA4] =	sst s2  }
0xb: {  	[smem:$0x3FA5] =	sst s3  }
0xc: {  	[smem:$0x3FA6] =	sst s4  }
0xd: {  	[smem:$0x3FA7] =	sst s5  }
0xe: {  	[smem:$0x3FA8] =	sst s6  }
0xf: {  	[smem:$0x3FA9] =	sst s7  }
0x10: {  	[smem:$0x3FAA] =	sst s8  }
0x11: {  	[smem:$0x3FAB] =	sst s9;
	s0 =	simm.s32 @!p0 $0x0  }
0x12: {  	s1 =	sld [smem:$0x3F91];
	s0 =	simm.s32 @p0 $0x1  }
0x13: {  	[smem:$0x3FAC] =	sst s0;
	s0 =	simm.s32 @!p1 $0x0  }
0x14: {  	s2 =	sld [smem:$0x3F90];
	s0 =	simm.s32 @p1 $0x1  }
0x15: {  	[smem:$0x3FAD] =	sst s0;
	s0 =	simm.s32 @!p2 $0x0  }
0x16: {  	s3 =	sld [smem:$0x3FDB];
	s0 =	simm.s32 @p2 $0x1  }
0x17: {  	s4 =	simm.s32 $0x1BF5;
	[smem:$0x3FAF] =	sst s0  }
0x18: {  	s0 =	sld [smem:$0x3F92];
	_ =	swait.ge [sflag:s4], $0x0  }
0x19: {  	s7 =	sld [smem:$0x3F93]  }
0x1a: {  	s8 =	sadd.s32 $0xFFFFE003, lr  }
0x1b: {  	s9 =	sadd.s32 $0xFFFFFEF7, lr;
	s5 =	simm.s32 $0xFFFFFFFF;
	p2 =	slt.u32 s8, $0xFFFFF086  }
0x1c: {  	p1 =	slt.u32 s9, $0xF7A;
	s5 =	simm.s32 @!p2 $0x0  }
0x1d: {  	s5 =	simm.s32 @p1 $0x1;
	p0 =	seq.s32 s7, s2  }
0x1e: {  	s7 =	smul.u32 @!p0 $0xF7A, s2;
	p2 =	seq.s32 @!p0 s5, $0x0  }
0x1f: {  	s9 =	smul.u32 $0xF7A, s1;
	s8 =	simm.s32 @!p0 $0x1BF5;
	p2 =	por !p2, p0  }
0x20: {  	[sflag:s8] =	ssyncset.s32 @!p0 $0xFFFFF086;
	s6 =	sadd.s32 @!p0 s3, s7;
	s7 =	simm.s32 @!p0 $0x108  }
0x21: {  	s3 =	sadd.s32 s3, s9;
	s6 =	sadd.s32 @!p0 $0x88, s6;
	s7 =	simm.s32 @p2 $0x1082  }
0x22: {  	[simem:s7], [sflag:s8] =	dma.local @!p0 [hbm:s6], $0xF7A  }
0x23: {  	s9 =	sor.u32 $0xD0000000, s2;
	s6 =	simm.s32 $0x108;
	_ =	swait.ge @!p0 [sflag:s8], $0x0  }
0x24: {  	s3 =	sadd.s32 $0x88, s3;
	s6 =	simm.s32 @!p1 $0x1082;
	[sflag:s4] =	ssyncset.s32 $0xFFFFF086  }
0x25: {  	[simem:s6], [sflag:s4] =	dma.local [hbm:s3], $0xF7A  }
0x26: {  	[smem:$0x3F93] =	sst s1;
	(tag) =	ssettag s2;
	_ =	strace s9  }
0x27: {  	s1 =	sld [smem:$0x3FA3]  }
0x28: {  	s2 =	sld [smem:$0x3FA4]  }
0x29: {  	s4 =	sld [smem:$0x3FA6]  }
0x2a: {  	p0 =	seq.s32 s5, $0x0;
	s5 =	sld [smem:$0x3FA7]  }
0x2b: {  	s6 =	sld [smem:$0x3FA8]  }
0x2c: {  	s7 =	sld [smem:$0x3FA9]  }
0x2d: {  	s3 =	simm.s32 $0x108;
	s8 =	sld [smem:$0x3FAA]  }
0x2e: {  	s3 =	simm.s32 @!p0 $0x1082;
	s9 =	sld [smem:$0x3FAB]  }
0x2f: {  	lr =	sadd.s32 s0, s3;
	s0 =	sld [smem:$0x3FA2]  }
0x30: {  	s3 =	sld [smem:$0x3FA5]  }
0x31: {  	[smem:$0x3FAE] =	sst s10  }
0x32: {  	s10 =	sld [smem:$0x3FAC];
	_ =	sdelay $0x3  }
0x33: {  	p0 =	seq.s32 s10, $0x1;
	s10 =	sld [smem:$0x3FAE];
	_ =	sdelay $0x3  }
0x34: {  	[smem:$0x3FAE] =	sst s10  }
0x35: {  	s10 =	sld [smem:$0x3FAD];
	_ =	sdelay $0x3  }
0x36: {  	p1 =	seq.s32 s10, $0x1;
	s10 =	sld [smem:$0x3FAE];
	_ =	sdelay $0x3  }
0x37: {  	[smem:$0x3FAE] =	sst s10  }
0x38: {  	s10 =	sld [smem:$0x3FAF]  }
0x39: {  	_ = 	snop;
	(pc) =	sbr.ind lr, $3  }
0x3a: {  	_ = 	snop  }
0x3b: {  	_ = 	snop  }
0x3c: {  	p2 =	seq.s32 s10, $0x1;
	s10 =	sld [smem:$0x3FAE]  }
0x3d: {  	_ =	shalt  }
0x3e: {  	_ =	shalt  }
0x3f: {  	_ =	shalt  }
0x40: {  	_ =	shalt  }
0x41: {  	_ =	shalt  }
0x42: {  	_ =	shalt  }
0x43: {  	_ =	shalt  }
0x44: {  	_ =	shalt  }
0x45: {  	_ =	shalt  }
0x46: {  	_ =	shalt  }
0x47: {  	_ =	shalt  }
0x48: {  	_ =	shalt  }
0x49: {  	_ =	shalt  }
0x4a: {  	_ =	shalt  }
0x4b: {  	_ =	shalt  }
0x4c: {  	_ =	shalt  }
0x4d: {  	_ =	shalt  }
0x4e: {  	_ =	shalt  }
0x4f: {  	_ =	shalt  }
0x50: {  	_ =	shalt  }
0x51: {  	_ =	shalt  }
0x52: {  	_ =	shalt  }
0x53: {  	_ =	shalt  }
0x54: {  	_ =	shalt  }
0x55: {  	_ =	shalt  }
0x56: {  	_ =	shalt  }
0x57: {  	_ =	shalt  }
0x58: {  	_ =	shalt  }
0x59: {  	_ =	shalt  }
0x5a: {  	_ =	shalt  }
0x5b: {  	_ =	shalt  }
0x5c: {  	_ =	shalt  }
0x5d: {  	_ =	shalt  }
0x5e: {  	_ =	shalt  }
0x5f: {  	_ =	shalt  }
0x60: {  	_ =	shalt  }
0x61: {  	_ =	shalt  }
0x62: {  	_ =	shalt  }
0x63: {  	_ =	shalt  }
0x64: {  	_ =	shalt  }
0x65: {  	_ =	shalt  }
0x66: {  	_ =	shalt  }
0x67: {  	_ =	shalt  }
0x68: {  	_ =	shalt  }
0x69: {  	_ =	shalt  }
0x6a: {  	_ =	shalt  }
0x6b: {  	_ =	shalt  }
0x6c: {  	_ =	shalt  }
0x6d: {  	_ =	shalt  }
0x6e: {  	_ =	shalt  }
0x6f: {  	_ =	shalt  }
0x70: {  	_ =	shalt  }
0x71: {  	_ =	shalt  }
0x72: {  	_ =	shalt  }
0x73: {  	_ =	shalt  }
0x74: {  	_ =	shalt  }
0x75: {  	_ =	shalt  }
0x76: {  	_ =	shalt  }
0x77: {  	_ =	shalt  }
0x78: {  	_ =	shalt  }
0x79: {  	_ =	shalt  }
0x7a: {  	_ =	shalt  }
0x7b: {  	_ =	shalt  }
0x7c: {  	_ =	shalt  }
0x7d: {  	_ =	shalt  }
0x7e: {  	_ =	shalt  }
0x7f: {  	_ =	shalt  }
0x80: {  	_ =	shalt  }
0x81: {  	_ =	shalt  }
0x82: {  	_ =	shalt  }
0x83: {  	_ =	shalt  }
0x84: {  	_ =	shalt  }
0x85: {  	_ =	shalt  }
0x86: {  	_ =	shalt  }
0x87: {  	_ =	shalt  }
.Lfunc_end0:
.L_simem_size_0:
called_computation.1_lowered:
.L_overlay_start_0:
0x88: {  	s2 =	sld [smem:$0x3FD9]  }
0x89: {  	s3 =	sld [smem:$0x3FFE];
	_ =	sdelay $0x1  }
0x8a: {  	s1 =	srdreg.scid  }
0x8b: {  	s0 =	sand.u32 $0x1, s1  }
0x8c: {  	s17 =	sshll.u32 s0, $0xA;
	s2 =	sadd.s32 s3, s2  }
0x8d: {  	s2 =	sadd.s32 s2, s17  }
0x8e: {  	[smem:$0x3FBA] =	sst s2  }
0x8f: {  	_ = 	snop  }
0x90: {  	s18 =	sld [smem:$0x3FC6]  }
0x91: {  	s4 =	sld [smem:$0x3FD0];
	(tm) =	ssettm $0x1  }
0x92: {  	s19 =	sld [smem:$0x3FFB];
	_ =	sdelay $0x3  }
0x93: {  	_ =	strace s19  }
0x94: {  	s2 =	sld [smem:$0x3FFC];
	_ =	sdelay $0x3  }
0x95: {  	_ =	strace s2  }
0x96: {  	s2 =	sld [smem:$0x3FFD];
	_ =	sdelay $0x3  }
0x97: {  	_ =	strace s2  }
0x98: {  	_ =	strace $0x8FFFFFFF  }
0x99: {  	s20 =	sld [smem:$0x3FDB];
	_ =	sdelay $0x1  }
0x9a: {  	s5 =	simm.s32 $_scs_section_size  }
0x9b: {  	s6 =	simm.s32 $_size__tile_overlayer_lowered;
	s7 =	simm.s32 $_tile_overlayer_lowered  }
0x9c: {  	s8 =	simm.s32 $0x1BFF;
	s21 =	sshll.u32 s7, $0x1;
	s5 =	sadd.s32 s5, s20  }
0x9d: {  	s22 =	simm.s32 $0x0;
	s6 =	sshll.u32 s6, $0x1;
	s7 =	sadd.s32 s21, s5  }
0x9e: {  	[timem:s22], [sflag:s8] =	dma.local [hbm:s7], s6  }
0x9f: {  	_ =	swait.ge [sflag:s8], s6  }
0xa0: {  	s6 =	ssub.s32 $0x0, s6;
	[sflag:s8] =	ssyncset.done $0x0  }
0xa1: {  	[sflag:s8] =	ssyncadd.s32 s6;
	_ =	sdelay $0x1  }
0xa2: {  	s23 =	simm.s32 $0x1B8B  }
0xa3: {  	_ =	swait.ge [sflag:s23], $0x1  }
0xa4: {  	[sflag:s23] =	ssyncset.done $0x0  }
0xa5: {  	[sflag:s23] =	ssyncadd.s32 $0xFFFFFFFF  }
0xa6: {  	s6 =	sld [smem:$0x0]  }
0xa7: {  	s7 =	sand.u32 $0xFFFFFFFE, s1  }
0xa8: {  	p0 =	sne.s32 s1, s7  }
0xa9: {  	s7 =	sshll.u32 @p0 s7, $0xE  }
0xaa: {  	s7 =	sadd.s32 @p0 $0x11B8D, s7;
	s8 =	sshll.u32 @p0 s6, $0x11  }
0xab: {  	s7 =	sor.u32 @p0 s8, s7  }
0xac: {  	[sflag:s7] =	ssyncadd.remote.s32 @p0 $0x1;
	_ =	sdelay $0x1  }
0xad: {  	s7 =	simm.s32 @p0 $0x1B8D  }
0xae: {  	_ =	swait.eq @p0 [sflag:s7], $0x1  }
0xaf: {  	[sflag:s7] =	ssyncadd.s32 @p0 $0xFFFFFFFF  }
0xb0: {  	s8 =	sshll.u32 @!p0 s1, $0xE  }
0xb1: {  	s8 =	sor.u32 @!p0 $0x4000, s8;
	s7 =	simm.s32 @!p0 $0x1B8D  }
0xb2: {  	s6 =	sshll.u32 @!p0 s6, $0x11;
	s8 =	sadd.s32 @!p0 $0x11B8D, s8;
	_ =	swait.eq @!p0 [sflag:s7], $0x1  }
0xb3: {  	s6 =	sor.u32 @!p0 s6, s8;
	[sflag:s7] =	ssyncadd.s32 @!p0 $0xFFFFFFFF  }
0xb4: {  	s25 =	simm.s32 $0x1B8E;
	s24 =	sld [smem:$0x3FFE];
	[sflag:s6] =	ssyncadd.remote.s32 @!p0 $0x1  }
0xb5: {  	s26 =	simm.s32 $execute0_lowered;
	[smem:$0x3FD2] =	sst s25  }
0xb6: {  	s7 =	sshll.u32 s26, $0x1;
	_ =	strace $0x80000049;
	[dreg:$0x1] =	wrdreg $0xFFFFFFFF  }
0xb7: {  	s28 =	simm.s32 $_size_execute0_lowered;
	s5 =	sadd.s32 s5, s7;
	[dreg:$0x0] =	wrdreg $0x0  }
0xb8: {  	s7 =	sshll.u32 s28, $0x1;
	[dreg:$0x2] =	wrdreg s5  }
0xb9: {  	[dreg:$0x3] =	wrdreg s7  }
0xba: {  	[dreg:$0x4] =	wrdreg $0xC0  }
0xbb: {  	_ =	task [dreg:s22], $0x5FFFF  }
0xbc: {  	[dreg:$0x1] =	wrdreg $0xFFFFFFFF  }
0xbd: {  	[dreg:$0x0] =	wrdreg $0x60  }
0xbe: {  	[dreg:$0x2] =	wrdreg s18  }
0xbf: {  	[dreg:$0x3] =	wrdreg s4  }
0xc0: {  	[dreg:$0x4] =	wrdreg s24  }
0xc1: {  	[dreg:$0x5] =	wrdreg $0xA  }
0xc2: {  	_ =	task.clear_ibuf [dreg:s22], $0x6FFFF;
	_ =	strace $0x90000049  }
0xc3: {  	s29 =	simm.s32 $0xA;
	_ =	strace $0x8000004B  }
0xc4: {  	_ =	swait.ge [sflag:s29], $0x1  }
0xc5: {  	[sflag:s29] =	ssyncadd.s32 $0xFFFFFFFF  }
0xc6: {  	_ =	strace $0x9000004B  }
0xc7: {  	_ =	sfence  }
0xc8: {  	s30 =	sld [smem:$0x0];
	_ =	sdelay $0x2  }
0xc9: {  	s31 =	sshll.u32 s1, $0xD;
	s1 =	sshrl.u32 s1, $0x2  }
0xca: {  	s4 =	sand.u32 $0x4000, s31;
	s1 =	sadd.s32 s1, s30  }
0xcb: {  	s0 =	sor.u32 s4, s0;
	s1 =	sshll.u32 s1, $0x11  }
0xcc: {  	s0 =	sor.u32 s1, s0  }
0xcd: {  	s0 =	sadd.s32 $0x8F2B, s0  }
0xce: {  	[sflag:s0] =	ssyncadd.remote.s32 $0x1  }
0xcf: {  	_ =	sfence.sel $0xFFFF  }
0xd0: {  	[dreg:$0x0] =	wrdreg $0xFFFFFFFF;
	(pc) =	sbr.abs _section_cstart, $3  }
0xd1: {  	[dreg:$0x1] =	wrdreg $0xFFFFFFFF  }
0xd2: {  	_ =	task.clear_ibuf [dreg:s22], $0x2FFFF;
	_ =	strace $0x9FFFFFFF  }
0xd3: {  	(tm) =	ssettm $0x7FFFFFFF  }
tec
execute0_lowered:
.L_overlay_start_1:
0x0: {  	(tag) =	ssettag $0x1  }
0x1: {  	s2 =	rddreg [dreg:$0x0]  }
0x2: {  	s8 =	rddreg [dreg:$0x1];
	s0 =	srdreg.scid  }
0x3: {  	s11 =	rddreg [dreg:$0x2];
	s1 =	stileid.u32;
	s5 =	simm.s32 $0x1  }
0x4: {  	s6 =	simm.s32 $0x2;
	s10 =	simm.s32 $0x3;
	s13 =	simm.s32 $0x0  }
0x5: {  	s15 =	simm.s32 $0x0;
	s3 =	sshll.u32 s0, $0x9;
	s0 =	rddreg [dreg:$0x3]  }
0x6: {  	s4 =	sshll.u32 s1, $0xA;
	_ =	strace $0x8000004A;
	s3 =	sand.u32 $0x200, s3  }
0x7: {  	s14 =	simm.s32 $0x0;
	[sflag:s5] =	ssyncpa.u1 $0x0;
	s3 =	sor.u32 s4, s3  }
0x8: {  	s4 =	sadd.s32 $0x13000, s11;
	[sflag:s6] =	ssyncpa.u1 $0x0;
	s7 =	ssub.s32 $0x4000, s3  }
.Ltmp0:
0x9: {  	[sflag:s10] =	ssyncpa.u1 $0x0;
	s9 =	sand.u32 $0x3E00, s7;
	(pc) =	sbr.rel .LBB2_1-.Ltmp0, $4  }
0xa: {  	s31 =	sshrl.u32 s3, $0x3;
	p0 =	sne.s32 s9, $0x0;
	s9 =	simm.s32 $0x1  }
0xb: {  	s10 =	sadd.s32 $0x1B000, s11;
	s7 =	sshrl.u32 s7, $0xE;
	s9 =	simm.s32 @!p0 $0x0  }
0xc: {  	s8 =	sadd.s32 s8, s31;
	p0 =	por $0x0, $0x0;
	s7 =	sadd.s32 s9, s7  }
0xd: {  	vm0 =	vmmov $0xffff;
	s9 =	sadd.s32 $0x17000, s11;
	s11 =	sadd.s32 $0x1F000, s11;
	s12 =	sadd.s32 $0x1, s7  }
.LBB2_4:
0xe: {  	_ =	sdelay $0x3  }
0xf: {  	[tilespmem:s21], [sflag:$0x1] =	stream.indirect_vreg.gather [hbm4b:s2+s13], $0x1, v0, vm0, $0x4038;
	[tilespmem:$0x8400] =	vst v63  }
0x10: {  	s18 =	sshll.u32 s15, $0x3  }
0x11: {  	s24 =	sand.u32 $0x78, s15;
	s18 =	sand.u32 $0x7FFFFC00, s18  }
0x12: {  	_ =	swait.ge [sflag:s5], $0x4000;
	s15 =	sor.u32 s24, s18  }
0x13: {  	[sflag:s5] =	ssyncset.done $0x0;
	s15 =	sshrl.u32 s15, $0x3  }
0x14: {  	[sflag:s5] =	ssyncadd.s32 $0xFFFFC000;
	s25 =	sadd.s32 s4, s15  }
0x15: {  	[hbm:s25] =	stream.linear.scatter [tilespmem:s17], [sflag:$0x3], $0x1000, $0x38;
	[tilespmem:$0x8400] =	vst v63  }
0x16: {  	s26 =	sadd.s32 $0x1400, s16;
	s28 =	sadd.s32 s15, s9  }
0x17: {  	[hbm:s28] =	stream.linear.scatter [tilespmem:s26], [sflag:$0x3], $0x1000, $0x38;
	[tilespmem:$0x8400] =	vst v63  }
0x18: {  	s29 =	sadd.s32 $0x2400, s16;
	s30 =	sadd.s32 s15, s10  }
0x19: {  	[hbm:s30] =	stream.linear.scatter [tilespmem:s29], [sflag:$0x3], $0x1000, $0x38;
	[tilespmem:$0x8400] =	vst v63  }
0x1a: {  	s31 =	sadd.s32 $0x3400, s16;
	s15 =	sadd.s32 s15, s11  }
0x1b: {  	[hbm:s15] =	stream.linear.scatter [tilespmem:s31], [sflag:$0x3], $0x1000, $0x38;
	[tilespmem:$0x8400] =	vst v63  }
.LBB2_5:
0x1c: {  	p2 =	sne.s32 s14, s12  }
.Ltmp1:
0x1d: {  	p1 =	slt.u32 s14, $0x2;
	(pc) =	sbr.rel @!p2 .LBB2_6-.Ltmp1, $4  }
0x1e: {  	s15 =	simm.s32 @!p1 $0x3  }
0x1f: {  	_ =	swait.ge @!p1 [sflag:s15], $0x4000  }
0x20: {  	s16 =	sadd.s32 $0x1, s14;
	p0 =	por !p0, !p0;
	[sflag:s15] =	ssyncset.done @!p1 $0x0  }
0x21: {  	s14 =	smov.u32 s16;
	[sflag:s15] =	ssyncadd.s32 @!p1 $0xFFFFC000;
	s15 =	smov.u32 s3  }
.LBB2_1:
0x22: {  	p1 =	sge.u32 s14, s7  }
0x23: {  	s16 =	sxor.u32 @!p1 $0xFFFFFFFF, s14  }
0x24: {  	s16 =	sshll.u32 @!p1 s16, $0x9  }
0x25: {  	s31 =	sadd.s32 $0xFFFFFFFF, s14;
	s17 =	simm.s32 @!p1 $0x0;
	s16 =	sand.u32 @!p1 $0x200, s16  }
0x26: {  	[tilespmem:s16], [sflag:$0x2] =	stream.linear.gather @!p1 [hbm4b:s8+s17], $0x200, $0x38;
	[tilespmem:$0x8400] =	vst v63  }
0x27: {  	p1 =	sge.u32 s31, s7  }
.Ltmp2:
0x28: {  	_ = 	snop;
	(pc) =	sbr.rel @p1 .LBB2_5-.Ltmp2, $1  }
0x29: {  	_ =	sdelay $0x3  }
0x2a: {  	s16 =	simm.s32 $0x1;
	_ =	swait.ge [sflag:s6], $0x200  }
0x2b: {  	s16 =	simm.s32 @!p0 $0x0;
	[sflag:s6] =	ssyncset.done $0x0  }
0x2c: {  	s19 =	sshll.u32 s16, $0x9;
	[sflag:s6] =	ssyncadd.s32 $0xFFFFFE00  }
0x2d: {  	v0 =	vld.msk [tilespmem:s19+$0x0 ss:$0x1], $0xffff;
	_ =	sdelay $0x4  }
0x2e: {  	vm1 =	vgt.s32 v0, $0x0  }
0x2f: {  	v0 =	vnsel vm1, $0x0, v0  }
0x30: {  	v0 =	vmin.u32 v0, $0xF423F  }
0x31: {  	v1 =	vshll.u32 v0, $0x3  }
0x32: {  	v0 =	vand.u32 $0x7F, v0;
	v1 =	vand.u32 $0x7FFC00, v1  }
0x33: {  	s22 =	sshll.u32 s14, $0xE;
	v0 =	vor.u32 v0, v1  }
0x34: {  	s18 =	simm.s32 $0x0;
	s16 =	sand.u32 $0x4000, s22  }
0x35: {  	s20 =	sand.u32 $0xC00, s18;
	s17 =	sor.u32 $0x400, s16  }
0x36: {  	s21 =	sand.u32 $0x70, s18;
	(ifvalue) =	ssetifvalue $0x7FFFFFFF;
	s20 =	sadd.s32 s20, s17;
	v1 =	vor.u32 $0x80, v0  }
0x37: {  	(ifvalue) =	ssetifvalue $0x7FFFFFFF;
	s20 =	sadd.s32 s21, s20  }
0x38: {  	[tilespmem:s20], [sflag:$0x1] =	stream.indirect_vreg.gather [hbm4b:s2+s13], $0x1, v0, vm0, $0x4038;
	[tilespmem:$0x8400] =	vst v63  }
0x39: {  	v2 =	vor.u32 $0x100, v0;
	(ifvalue) =	ssetifvalue $0x7FFFFFFF  }
0x3a: {  	s21 =	sadd.s32 $0x80, s20;
	(ifvalue) =	ssetifvalue $0x7FFFFFFF  }
0x3b: {  	[tilespmem:s21], [sflag:$0x1] =	stream.indirect_vreg.gather [hbm4b:s2+s13], $0x1, v1, vm0, $0x4038;
	[tilespmem:$0x8400] =	vst v63  }
0x3c: {  	v1 =	vor.u32 $0x180, v0;
	(ifvalue) =	ssetifvalue $0x7FFFFFFF  }
0x3d: {  	s23 =	sadd.s32 $0x100, s20;
	(ifvalue) =	ssetifvalue $0x7FFFFFFF  }
0x3e: {  	[tilespmem:s23], [sflag:$0x1] =	stream.indirect_vreg.gather [hbm4b:s2+s13], $0x1, v2, vm0, $0x4038;
	[tilespmem:$0x8400] =	vst v63  }
0x3f: {  	v2 =	vor.u32 $0x200, v0;
	(ifvalue) =	ssetifvalue $0x7FFFFFFF  }
0x40: {  	s24 =	sadd.s32 $0x180, s20;
	(ifvalue) =	ssetifvalue $0x7FFFFFFF  }
0x41: {  	[tilespmem:s24], [sflag:$0x1] =	stream.indirect_vreg.gather [hbm4b:s2+s13], $0x1, v1, vm0, $0x4038;
	[tilespmem:$0x8400] =	vst v63  }
0x42: {  	(ifvalue) =	ssetifvalue $0x7FFFFFFF;
	v1 =	vor.u32 $0x280, v0  }
0x43: {  	s25 =	sadd.s32 $0x200, s20;
	(ifvalue) =	ssetifvalue $0x7FFFFFFF  }
0x44: {  	[tilespmem:s25], [sflag:$0x1] =	stream.indirect_vreg.gather [hbm4b:s2+s13], $0x1, v2, vm0, $0x4038;
	[tilespmem:$0x8400] =	vst v63  }
0x45: {  	(ifvalue) =	ssetifvalue $0x7FFFFFFF;
	v2 =	vor.u32 $0x300, v0  }
0x46: {  	s26 =	sadd.s32 $0x280, s20;
	(ifvalue) =	ssetifvalue $0x7FFFFFFF  }
0x47: {  	[tilespmem:s26], [sflag:$0x1] =	stream.indirect_vreg.gather [hbm4b:s2+s13], $0x1, v1, vm0, $0x4038;
	[tilespmem:$0x8400] =	vst v63  }
0x48: {  	(ifvalue) =	ssetifvalue $0x7FFFFFFF;
	v1 =	vor.u32 $0x380, v0  }
0x49: {  	s18 =	sor.u32 s18, s18;
	s28 =	sadd.s32 $0x300, s20;
	(ifvalue) =	ssetifvalue $0x7FFFFFFF  }
0x4a: {  	[tilespmem:s28], [sflag:$0x1] =	stream.indirect_vreg.gather [hbm4b:s2+s13], $0x1, v2, vm0, $0x4038;
	[tilespmem:$0x8400] =	vst v63  }
0x4b: {  	s18 =	sor.u32 $0x380, s18;
	(ifvalue) =	ssetifvalue $0x7FFFFFFF;
	v2 =	vadd.s32 $0x7A1400, v0  }
0x4c: {  	s18 =	sadd.s32 s18, s17;
	(ifvalue) =	ssetifvalue $0x7FFFFFFF  }
0x4d: {  	[tilespmem:s18], [sflag:$0x1] =	stream.indirect_vreg.gather [hbm4b:s2+s13], $0x1, v1, vm0, $0x4038;
	[tilespmem:$0x8400] =	vst v63  }
0x4e: {  	(ifvalue) =	ssetifvalue $0x7FFFFFFF;
	v1 =	vadd.s32 $0x7A1480, v0  }
0x4f: {  	s29 =	sadd.s32 $0x1000, s20;
	(ifvalue) =	ssetifvalue $0x7FFFFFFF  }
0x50: {  	[tilespmem:s29], [sflag:$0x1] =	stream.indirect_vreg.gather [hbm4b:s2+s13], $0x1, v2, vm0, $0x4038;
	[tilespmem:$0x8400] =	vst v63  }
0x51: {  	(ifvalue) =	ssetifvalue $0x7FFFFFFF;
	v2 =	vadd.s32 $0x7A1500, v0  }
0x52: {  	s30 =	sadd.s32 $0x1080, s20;
	(ifvalue) =	ssetifvalue $0x7FFFFFFF  }
0x53: {  	[tilespmem:s30], [sflag:$0x1] =	stream.indirect_vreg.gather [hbm4b:s2+s13], $0x1, v1, vm0, $0x4038;
	[tilespmem:$0x8400] =	vst v63  }
0x54: {  	(ifvalue) =	ssetifvalue $0x7FFFFFFF;
	v1 =	vadd.s32 $0x7A1580, v0  }
0x55: {  	s31 =	sadd.s32 $0x1100, s20;
	(ifvalue) =	ssetifvalue $0x7FFFFFFF  }
0x56: {  	[tilespmem:s31], [sflag:$0x1] =	stream.indirect_vreg.gather [hbm4b:s2+s13], $0x1, v2, vm0, $0x4038;
	[tilespmem:$0x8400] =	vst v63  }
0x57: {  	(ifvalue) =	ssetifvalue $0x7FFFFFFF;
	v2 =	vadd.s32 $0x7A1600, v0  }
0x58: {  	s21 =	sadd.s32 $0x1180, s20;
	(ifvalue) =	ssetifvalue $0x7FFFFFFF  }
0x59: {  	[tilespmem:s21], [sflag:$0x1] =	stream.indirect_vreg.gather [hbm4b:s2+s13], $0x1, v1, vm0, $0x4038;
	[tilespmem:$0x8400] =	vst v63  }
0x5a: {  	(ifvalue) =	ssetifvalue $0x7FFFFFFF;
	v1 =	vadd.s32 $0x7A1680, v0  }
0x5b: {  	s22 =	sadd.s32 $0x1200, s20;
	(ifvalue) =	ssetifvalue $0x7FFFFFFF  }
0x5c: {  	[tilespmem:s22], [sflag:$0x1] =	stream.indirect_vreg.gather [hbm4b:s2+s13], $0x1, v2, vm0, $0x4038;
	[tilespmem:$0x8400] =	vst v63  }
0x5d: {  	(ifvalue) =	ssetifvalue $0x7FFFFFFF;
	v2 =	vadd.s32 $0x7A1700, v0  }
0x5e: {  	s23 =	sadd.s32 $0x1280, s20;
	(ifvalue) =	ssetifvalue $0x7FFFFFFF  }
0x5f: {  	[tilespmem:s23], [sflag:$0x1] =	stream.indirect_vreg.gather [hbm4b:s2+s13], $0x1, v1, vm0, $0x4038;
	[tilespmem:$0x8400] =	vst v63  }
0x60: {  	(ifvalue) =	ssetifvalue $0x7FFFFFFF;
	v1 =	vadd.s32 $0x7A1780, v0  }
0x61: {  	s24 =	sadd.s32 $0x1300, s20;
	(ifvalue) =	ssetifvalue $0x7FFFFFFF  }
0x62: {  	[tilespmem:s24], [sflag:$0x1] =	stream.indirect_vreg.gather [hbm4b:s2+s13], $0x1, v2, vm0, $0x4038;
	[tilespmem:$0x8400] =	vst v63  }
0x63: {  	(ifvalue) =	ssetifvalue $0x7FFFFFFF;
	v2 =	vadd.s32 $0xF42800, v0  }
0x64: {  	s25 =	sadd.s32 $0x1380, s20;
	(ifvalue) =	ssetifvalue $0x7FFFFFFF  }
0x65: {  	[tilespmem:s25], [sflag:$0x1] =	stream.indirect_vreg.gather [hbm4b:s2+s13], $0x1, v1, vm0, $0x4038;
	[tilespmem:$0x8400] =	vst v63  }
0x66: {  	(ifvalue) =	ssetifvalue $0x7FFFFFFF;
	v1 =	vadd.s32 $0xF42880, v0  }
0x67: {  	s26 =	sadd.s32 $0x2000, s20;
	(ifvalue) =	ssetifvalue $0x7FFFFFFF  }
0x68: {  	[tilespmem:s26], [sflag:$0x1] =	stream.indirect_vreg.gather [hbm4b:s2+s13], $0x1, v2, vm0, $0x4038;
	[tilespmem:$0x8400] =	vst v63  }
0x69: {  	(ifvalue) =	ssetifvalue $0x7FFFFFFF;
	v2 =	vadd.s32 $0xF42900, v0  }
0x6a: {  	s28 =	sadd.s32 $0x2080, s20;
	(ifvalue) =	ssetifvalue $0x7FFFFFFF  }
0x6b: {  	[tilespmem:s28], [sflag:$0x1] =	stream.indirect_vreg.gather [hbm4b:s2+s13], $0x1, v1, vm0, $0x4038;
	[tilespmem:$0x8400] =	vst v63  }
0x6c: {  	(ifvalue) =	ssetifvalue $0x7FFFFFFF;
	v1 =	vadd.s32 $0xF42980, v0  }
0x6d: {  	s29 =	sadd.s32 $0x2100, s20;
	(ifvalue) =	ssetifvalue $0x7FFFFFFF  }
0x6e: {  	[tilespmem:s29], [sflag:$0x1] =	stream.indirect_vreg.gather [hbm4b:s2+s13], $0x1, v2, vm0, $0x4038;
	[tilespmem:$0x8400] =	vst v63  }
0x6f: {  	(ifvalue) =	ssetifvalue $0x7FFFFFFF;
	v2 =	vadd.s32 $0xF42A00, v0  }
0x70: {  	s30 =	sadd.s32 $0x2180, s20;
	(ifvalue) =	ssetifvalue $0x7FFFFFFF  }
0x71: {  	[tilespmem:s30], [sflag:$0x1] =	stream.indirect_vreg.gather [hbm4b:s2+s13], $0x1, v1, vm0, $0x4038;
	[tilespmem:$0x8400] =	vst v63  }
0x72: {  	(ifvalue) =	ssetifvalue $0x7FFFFFFF;
	v1 =	vadd.s32 $0xF42A80, v0  }
0x73: {  	s31 =	sadd.s32 $0x2200, s20;
	(ifvalue) =	ssetifvalue $0x7FFFFFFF  }
0x74: {  	[tilespmem:s31], [sflag:$0x1] =	stream.indirect_vreg.gather [hbm4b:s2+s13], $0x1, v2, vm0, $0x4038;
	[tilespmem:$0x8400] =	vst v63  }
0x75: {  	(ifvalue) =	ssetifvalue $0x7FFFFFFF;
	v2 =	vadd.s32 $0xF42B00, v0  }
0x76: {  	s21 =	sadd.s32 $0x2280, s20;
	(ifvalue) =	ssetifvalue $0x7FFFFFFF  }
0x77: {  	[tilespmem:s21], [sflag:$0x1] =	stream.indirect_vreg.gather [hbm4b:s2+s13], $0x1, v1, vm0, $0x4038;
	[tilespmem:$0x8400] =	vst v63  }
0x78: {  	(ifvalue) =	ssetifvalue $0x7FFFFFFF;
	v1 =	vadd.s32 $0xF42B80, v0  }
0x79: {  	s22 =	sadd.s32 $0x2300, s20;
	(ifvalue) =	ssetifvalue $0x7FFFFFFF  }
0x7a: {  	[tilespmem:s22], [sflag:$0x1] =	stream.indirect_vreg.gather [hbm4b:s2+s13], $0x1, v2, vm0, $0x4038;
	[tilespmem:$0x8400] =	vst v63  }
0x7b: {  	(ifvalue) =	ssetifvalue $0x7FFFFFFF;
	v2 =	vadd.s32 $0x16E3C00, v0  }
0x7c: {  	s23 =	sadd.s32 $0x2380, s20;
	(ifvalue) =	ssetifvalue $0x7FFFFFFF  }
0x7d: {  	[tilespmem:s23], [sflag:$0x1] =	stream.indirect_vreg.gather [hbm4b:s2+s13], $0x1, v1, vm0, $0x4038;
	[tilespmem:$0x8400] =	vst v63  }
0x7e: {  	(ifvalue) =	ssetifvalue $0x7FFFFFFF;
	v1 =	vadd.s32 $0x16E3C80, v0  }
0x7f: {  	s24 =	sadd.s32 $0x3000, s20;
	(ifvalue) =	ssetifvalue $0x7FFFFFFF  }
0x80: {  	[tilespmem:s24], [sflag:$0x1] =	stream.indirect_vreg.gather [hbm4b:s2+s13], $0x1, v2, vm0, $0x4038;
	[tilespmem:$0x8400] =	vst v63  }
0x81: {  	(ifvalue) =	ssetifvalue $0x7FFFFFFF;
	v2 =	vadd.s32 $0x16E3D00, v0  }
0x82: {  	s25 =	sadd.s32 $0x3080, s20;
	(ifvalue) =	ssetifvalue $0x7FFFFFFF  }
0x83: {  	[tilespmem:s25], [sflag:$0x1] =	stream.indirect_vreg.gather [hbm4b:s2+s13], $0x1, v1, vm0, $0x4038;
	[tilespmem:$0x8400] =	vst v63  }
0x84: {  	(ifvalue) =	ssetifvalue $0x7FFFFFFF;
	v1 =	vadd.s32 $0x16E3D80, v0  }
0x85: {  	s26 =	sadd.s32 $0x3100, s20;
	(ifvalue) =	ssetifvalue $0x7FFFFFFF  }
0x86: {  	[tilespmem:s26], [sflag:$0x1] =	stream.indirect_vreg.gather [hbm4b:s2+s13], $0x1, v2, vm0, $0x4038;
	[tilespmem:$0x8400] =	vst v63  }
0x87: {  	(ifvalue) =	ssetifvalue $0x7FFFFFFF;
	v2 =	vadd.s32 $0x16E3E00, v0  }
0x88: {  	s28 =	sadd.s32 $0x3180, s20;
	(ifvalue) =	ssetifvalue $0x7FFFFFFF  }
0x89: {  	[tilespmem:s28], [sflag:$0x1] =	stream.indirect_vreg.gather [hbm4b:s2+s13], $0x1, v1, vm0, $0x4038;
	[tilespmem:$0x8400] =	vst v63  }
0x8a: {  	(ifvalue) =	ssetifvalue $0x7FFFFFFF;
	v1 =	vadd.s32 $0x16E3E80, v0  }
0x8b: {  	s29 =	sadd.s32 $0x3200, s20;
	(ifvalue) =	ssetifvalue $0x7FFFFFFF  }
0x8c: {  	[tilespmem:s29], [sflag:$0x1] =	stream.indirect_vreg.gather [hbm4b:s2+s13], $0x1, v2, vm0, $0x4038;
	[tilespmem:$0x8400] =	vst v63  }
0x8d: {  	(ifvalue) =	ssetifvalue $0x7FFFFFFF;
	v2 =	vadd.s32 $0x16E3F00, v0  }
0x8e: {  	s30 =	sadd.s32 $0x3280, s20;
	(ifvalue) =	ssetifvalue $0x7FFFFFFF  }
0x8f: {  	[tilespmem:s30], [sflag:$0x1] =	stream.indirect_vreg.gather [hbm4b:s2+s13], $0x1, v1, vm0, $0x4038;
	[tilespmem:$0x8400] =	vst v63  }
0x90: {  	v0 =	vadd.s32 $0x16E3F80, v0;
	(ifvalue) =	ssetifvalue $0x7FFFFFFF  }
0x91: {  	s31 =	sadd.s32 $0x3300, s20;
	(ifvalue) =	ssetifvalue $0x7FFFFFFF  }
0x92: {  	[tilespmem:s31], [sflag:$0x1] =	stream.indirect_vreg.gather [hbm4b:s2+s13], $0x1, v2, vm0, $0x4038;
	[tilespmem:$0x8400] =	vst v63  }
0x93: {  	s19 =	sadd.s32 $0x10, s19;
	s18 =	simm.s32 $0x10;
	(ifvalue) =	ssetifvalue $0x7FFFFFFF  }
0x94: {  	s21 =	sadd.s32 $0x3380, s20;
	s20 =	simm.s32 $0x80;
	(ifvalue) =	ssetifvalue $0x7FFFFFFF  }
.LBB2_3:
0x95: {  	[tilespmem:s21], [sflag:$0x1] =	stream.indirect_vreg.gather [hbm4b:s2+s13], $0x1, v0, vm0, $0x4038;
	[tilespmem:$0x8400] =	vst v63  }
0x96: {  	p1 =	sne.s32 s18, $0x1F0;
	s22 =	smov.u32 s18;
	s18 =	sadd.s32 $0x10, s18;
	v0 =	vld.msk [tilespmem:s19+$0x0 ss:$0x1], $0xffff  }
0x97: {  	(ifvalue) =	ssetifvalue $0x7FFFFFFF;
	_ =	sdelay $0x4  }
0x98: {  	vm1 =	vgt.s32 v0, $0x0  }
0x99: {  	v0 =	vnsel vm1, $0x0, v0  }
0x9a: {  	v0 =	vmin.u32 v0, $0xF423F  }
0x9b: {  	v1 =	vshll.u32 v0, $0x3  }
0x9c: {  	v0 =	vand.u32 $0x7F, v0;
	v1 =	vand.u32 $0x7FFC00, v1  }
0x9d: {  	v0 =	vor.u32 v0, v1;
	_ =	sdelay $0x1  }
0x9e: {  	s21 =	sand.u32 $0xC00, s20  }
0x9f: {  	s23 =	sand.u32 $0x70, s22;
	s21 =	sadd.s32 s21, s17;
	v1 =	vor.u32 $0x80, v0  }
0xa0: {  	s21 =	sadd.s32 s23, s21;
	(ifvalue) =	ssetifvalue $0x7FFFFFFF  }
0xa1: {  	[tilespmem:s21], [sflag:$0x1] =	stream.indirect_vreg.gather [hbm4b:s2+s13], $0x1, v0, vm0, $0x4038;
	[tilespmem:$0x8400] =	vst v63  }
0xa2: {  	v2 =	vor.u32 $0x100, v0;
	(ifvalue) =	ssetifvalue $0x7FFFFFFF  }
0xa3: {  	s23 =	sadd.s32 $0x80, s21;
	(ifvalue) =	ssetifvalue $0x7FFFFFFF  }
0xa4: {  	[tilespmem:s23], [sflag:$0x1] =	stream.indirect_vreg.gather [hbm4b:s2+s13], $0x1, v1, vm0, $0x4038;
	[tilespmem:$0x8400] =	vst v63  }
0xa5: {  	v1 =	vor.u32 $0x180, v0;
	(ifvalue) =	ssetifvalue $0x7FFFFFFF  }
0xa6: {  	s23 =	sadd.s32 $0x100, s21;
	(ifvalue) =	ssetifvalue $0x7FFFFFFF  }
0xa7: {  	[tilespmem:s23], [sflag:$0x1] =	stream.indirect_vreg.gather [hbm4b:s2+s13], $0x1, v2, vm0, $0x4038;
	[tilespmem:$0x8400] =	vst v63  }
0xa8: {  	v2 =	vor.u32 $0x200, v0;
	(ifvalue) =	ssetifvalue $0x7FFFFFFF  }
0xa9: {  	s23 =	sadd.s32 $0x180, s21;
	(ifvalue) =	ssetifvalue $0x7FFFFFFF  }
0xaa: {  	[tilespmem:s23], [sflag:$0x1] =	stream.indirect_vreg.gather [hbm4b:s2+s13], $0x1, v1, vm0, $0x4038;
	[tilespmem:$0x8400] =	vst v63  }
0xab: {  	v1 =	vor.u32 $0x280, v0;
	(ifvalue) =	ssetifvalue $0x7FFFFFFF  }
0xac: {  	s23 =	sadd.s32 $0x200, s21;
	(ifvalue) =	ssetifvalue $0x7FFFFFFF  }
0xad: {  	[tilespmem:s23], [sflag:$0x1] =	stream.indirect_vreg.gather [hbm4b:s2+s13], $0x1, v2, vm0, $0x4038;
	[tilespmem:$0x8400] =	vst v63  }
0xae: {  	v2 =	vor.u32 $0x300, v0;
	(ifvalue) =	ssetifvalue $0x7FFFFFFF  }
0xaf: {  	s23 =	sadd.s32 $0x280, s21;
	(ifvalue) =	ssetifvalue $0x7FFFFFFF  }
0xb0: {  	[tilespmem:s23], [sflag:$0x1] =	stream.indirect_vreg.gather [hbm4b:s2+s13], $0x1, v1, vm0, $0x4038;
	[tilespmem:$0x8400] =	vst v63  }
0xb1: {  	v1 =	vor.u32 $0x380, v0;
	(ifvalue) =	ssetifvalue $0x7FFFFFFF  }
0xb2: {  	s22 =	sor.u32 s20, s22;
	s23 =	sadd.s32 $0x300, s21;
	(ifvalue) =	ssetifvalue $0x7FFFFFFF  }
0xb3: {  	[tilespmem:s23], [sflag:$0x1] =	stream.indirect_vreg.gather [hbm4b:s2+s13], $0x1, v2, vm0, $0x4038;
	[tilespmem:$0x8400] =	vst v63  }
0xb4: {  	s22 =	sor.u32 $0x380, s22;
	v2 =	vadd.s32 $0x7A1400, v0;
	(ifvalue) =	ssetifvalue $0x7FFFFFFF  }
0xb5: {  	s22 =	sadd.s32 s22, s17;
	(ifvalue) =	ssetifvalue $0x7FFFFFFF  }
0xb6: {  	[tilespmem:s22], [sflag:$0x1] =	stream.indirect_vreg.gather [hbm4b:s2+s13], $0x1, v1, vm0, $0x4038;
	[tilespmem:$0x8400] =	vst v63  }
0xb7: {  	v1 =	vadd.s32 $0x7A1480, v0;
	(ifvalue) =	ssetifvalue $0x7FFFFFFF  }
0xb8: {  	s22 =	sadd.s32 $0x1000, s21;
	(ifvalue) =	ssetifvalue $0x7FFFFFFF  }
0xb9: {  	[tilespmem:s22], [sflag:$0x1] =	stream.indirect_vreg.gather [hbm4b:s2+s13], $0x1, v2, vm0, $0x4038;
	[tilespmem:$0x8400] =	vst v63  }
0xba: {  	v2 =	vadd.s32 $0x7A1500, v0;
	(ifvalue) =	ssetifvalue $0x7FFFFFFF  }
0xbb: {  	s22 =	sadd.s32 $0x1080, s21;
	(ifvalue) =	ssetifvalue $0x7FFFFFFF  }
0xbc: {  	[tilespmem:s22], [sflag:$0x1] =	stream.indirect_vreg.gather [hbm4b:s2+s13], $0x1, v1, vm0, $0x4038;
	[tilespmem:$0x8400] =	vst v63  }
0xbd: {  	v1 =	vadd.s32 $0x7A1580, v0;
	(ifvalue) =	ssetifvalue $0x7FFFFFFF  }
0xbe: {  	s22 =	sadd.s32 $0x1100, s21;
	(ifvalue) =	ssetifvalue $0x7FFFFFFF  }
0xbf: {  	[tilespmem:s22], [sflag:$0x1] =	stream.indirect_vreg.gather [hbm4b:s2+s13], $0x1, v2, vm0, $0x4038;
	[tilespmem:$0x8400] =	vst v63  }
0xc0: {  	v2 =	vadd.s32 $0x7A1600, v0;
	(ifvalue) =	ssetifvalue $0x7FFFFFFF  }
0xc1: {  	s22 =	sadd.s32 $0x1180, s21;
	(ifvalue) =	ssetifvalue $0x7FFFFFFF  }
0xc2: {  	[tilespmem:s22], [sflag:$0x1] =	stream.indirect_vreg.gather [hbm4b:s2+s13], $0x1, v1, vm0, $0x4038;
	[tilespmem:$0x8400] =	vst v63  }
0xc3: {  	v1 =	vadd.s32 $0x7A1680, v0;
	(ifvalue) =	ssetifvalue $0x7FFFFFFF  }
0xc4: {  	s22 =	sadd.s32 $0x1200, s21;
	(ifvalue) =	ssetifvalue $0x7FFFFFFF  }
0xc5: {  	[tilespmem:s22], [sflag:$0x1] =	stream.indirect_vreg.gather [hbm4b:s2+s13], $0x1, v2, vm0, $0x4038;
	[tilespmem:$0x8400] =	vst v63  }
0xc6: {  	v2 =	vadd.s32 $0x7A1700, v0;
	(ifvalue) =	ssetifvalue $0x7FFFFFFF  }
0xc7: {  	s22 =	sadd.s32 $0x1280, s21;
	(ifvalue) =	ssetifvalue $0x7FFFFFFF  }
0xc8: {  	[tilespmem:s22], [sflag:$0x1] =	stream.indirect_vreg.gather [hbm4b:s2+s13], $0x1, v1, vm0, $0x4038;
	[tilespmem:$0x8400] =	vst v63  }
0xc9: {  	v1 =	vadd.s32 $0x7A1780, v0;
	(ifvalue) =	ssetifvalue $0x7FFFFFFF  }
0xca: {  	s22 =	sadd.s32 $0x1300, s21;
	(ifvalue) =	ssetifvalue $0x7FFFFFFF  }
0xcb: {  	[tilespmem:s22], [sflag:$0x1] =	stream.indirect_vreg.gather [hbm4b:s2+s13], $0x1, v2, vm0, $0x4038;
	[tilespmem:$0x8400] =	vst v63  }
0xcc: {  	v2 =	vadd.s32 $0xF42800, v0;
	(ifvalue) =	ssetifvalue $0x7FFFFFFF  }
0xcd: {  	s22 =	sadd.s32 $0x1380, s21;
	(ifvalue) =	ssetifvalue $0x7FFFFFFF  }
0xce: {  	[tilespmem:s22], [sflag:$0x1] =	stream.indirect_vreg.gather [hbm4b:s2+s13], $0x1, v1, vm0, $0x4038;
	[tilespmem:$0x8400] =	vst v63  }
0xcf: {  	v1 =	vadd.s32 $0xF42880, v0;
	(ifvalue) =	ssetifvalue $0x7FFFFFFF  }
0xd0: {  	s22 =	sadd.s32 $0x2000, s21;
	(ifvalue) =	ssetifvalue $0x7FFFFFFF  }
0xd1: {  	[tilespmem:s22], [sflag:$0x1] =	stream.indirect_vreg.gather [hbm4b:s2+s13], $0x1, v2, vm0, $0x4038;
	[tilespmem:$0x8400] =	vst v63  }
0xd2: {  	v2 =	vadd.s32 $0xF42900, v0;
	(ifvalue) =	ssetifvalue $0x7FFFFFFF  }
0xd3: {  	s22 =	sadd.s32 $0x2080, s21;
	(ifvalue) =	ssetifvalue $0x7FFFFFFF  }
0xd4: {  	[tilespmem:s22], [sflag:$0x1] =	stream.indirect_vreg.gather [hbm4b:s2+s13], $0x1, v1, vm0, $0x4038;
	[tilespmem:$0x8400] =	vst v63  }
0xd5: {  	v1 =	vadd.s32 $0xF42980, v0;
	(ifvalue) =	ssetifvalue $0x7FFFFFFF  }
0xd6: {  	s22 =	sadd.s32 $0x2100, s21;
	(ifvalue) =	ssetifvalue $0x7FFFFFFF  }
0xd7: {  	[tilespmem:s22], [sflag:$0x1] =	stream.indirect_vreg.gather [hbm4b:s2+s13], $0x1, v2, vm0, $0x4038;
	[tilespmem:$0x8400] =	vst v63  }
0xd8: {  	v2 =	vadd.s32 $0xF42A00, v0;
	(ifvalue) =	ssetifvalue $0x7FFFFFFF  }
0xd9: {  	s22 =	sadd.s32 $0x2180, s21;
	(ifvalue) =	ssetifvalue $0x7FFFFFFF  }
0xda: {  	[tilespmem:s22], [sflag:$0x1] =	stream.indirect_vreg.gather [hbm4b:s2+s13], $0x1, v1, vm0, $0x4038;
	[tilespmem:$0x8400] =	vst v63  }
0xdb: {  	v1 =	vadd.s32 $0xF42A80, v0;
	(ifvalue) =	ssetifvalue $0x7FFFFFFF  }
0xdc: {  	s22 =	sadd.s32 $0x2200, s21;
	(ifvalue) =	ssetifvalue $0x7FFFFFFF  }
0xdd: {  	[tilespmem:s22], [sflag:$0x1] =	stream.indirect_vreg.gather [hbm4b:s2+s13], $0x1, v2, vm0, $0x4038;
	[tilespmem:$0x8400] =	vst v63  }
0xde: {  	v2 =	vadd.s32 $0xF42B00, v0;
	(ifvalue) =	ssetifvalue $0x7FFFFFFF  }
0xdf: {  	s22 =	sadd.s32 $0x2280, s21;
	(ifvalue) =	ssetifvalue $0x7FFFFFFF  }
0xe0: {  	[tilespmem:s22], [sflag:$0x1] =	stream.indirect_vreg.gather [hbm4b:s2+s13], $0x1, v1, vm0, $0x4038;
	[tilespmem:$0x8400] =	vst v63  }
0xe1: {  	v1 =	vadd.s32 $0xF42B80, v0;
	(ifvalue) =	ssetifvalue $0x7FFFFFFF  }
0xe2: {  	s22 =	sadd.s32 $0x2300, s21;
	(ifvalue) =	ssetifvalue $0x7FFFFFFF  }
0xe3: {  	[tilespmem:s22], [sflag:$0x1] =	stream.indirect_vreg.gather [hbm4b:s2+s13], $0x1, v2, vm0, $0x4038;
	[tilespmem:$0x8400] =	vst v63  }
0xe4: {  	v2 =	vadd.s32 $0x16E3C00, v0;
	(ifvalue) =	ssetifvalue $0x7FFFFFFF  }
0xe5: {  	s22 =	sadd.s32 $0x2380, s21;
	(ifvalue) =	ssetifvalue $0x7FFFFFFF  }
0xe6: {  	[tilespmem:s22], [sflag:$0x1] =	stream.indirect_vreg.gather [hbm4b:s2+s13], $0x1, v1, vm0, $0x4038;
	[tilespmem:$0x8400] =	vst v63  }
0xe7: {  	v1 =	vadd.s32 $0x16E3C80, v0;
	(ifvalue) =	ssetifvalue $0x7FFFFFFF  }
0xe8: {  	s22 =	sadd.s32 $0x3000, s21;
	(ifvalue) =	ssetifvalue $0x7FFFFFFF  }
0xe9: {  	[tilespmem:s22], [sflag:$0x1] =	stream.indirect_vreg.gather [hbm4b:s2+s13], $0x1, v2, vm0, $0x4038;
	[tilespmem:$0x8400] =	vst v63  }
0xea: {  	v2 =	vadd.s32 $0x16E3D00, v0;
	(ifvalue) =	ssetifvalue $0x7FFFFFFF  }
0xeb: {  	s22 =	sadd.s32 $0x3080, s21;
	(ifvalue) =	ssetifvalue $0x7FFFFFFF  }
0xec: {  	[tilespmem:s22], [sflag:$0x1] =	stream.indirect_vreg.gather [hbm4b:s2+s13], $0x1, v1, vm0, $0x4038;
	[tilespmem:$0x8400] =	vst v63  }
0xed: {  	v1 =	vadd.s32 $0x16E3D80, v0;
	(ifvalue) =	ssetifvalue $0x7FFFFFFF  }
0xee: {  	s22 =	sadd.s32 $0x3100, s21;
	(ifvalue) =	ssetifvalue $0x7FFFFFFF  }
0xef: {  	[tilespmem:s22], [sflag:$0x1] =	stream.indirect_vreg.gather [hbm4b:s2+s13], $0x1, v2, vm0, $0x4038;
	[tilespmem:$0x8400] =	vst v63  }
0xf0: {  	v2 =	vadd.s32 $0x16E3E00, v0;
	(ifvalue) =	ssetifvalue $0x7FFFFFFF  }
0xf1: {  	s22 =	sadd.s32 $0x3180, s21;
	(ifvalue) =	ssetifvalue $0x7FFFFFFF  }
0xf2: {  	[tilespmem:s22], [sflag:$0x1] =	stream.indirect_vreg.gather [hbm4b:s2+s13], $0x1, v1, vm0, $0x4038;
	[tilespmem:$0x8400] =	vst v63  }
0xf3: {  	v1 =	vadd.s32 $0x16E3E80, v0;
	(ifvalue) =	ssetifvalue $0x7FFFFFFF  }
0xf4: {  	s22 =	sadd.s32 $0x3200, s21;
	(ifvalue) =	ssetifvalue $0x7FFFFFFF  }
0xf5: {  	[tilespmem:s22], [sflag:$0x1] =	stream.indirect_vreg.gather [hbm4b:s2+s13], $0x1, v2, vm0, $0x4038;
	[tilespmem:$0x8400] =	vst v63  }
0xf6: {  	v2 =	vadd.s32 $0x16E3F00, v0;
	(ifvalue) =	ssetifvalue $0x7FFFFFFF  }
0xf7: {  	s22 =	sadd.s32 $0x3280, s21;
	(ifvalue) =	ssetifvalue $0x7FFFFFFF  }
0xf8: {  	[tilespmem:s22], [sflag:$0x1] =	stream.indirect_vreg.gather [hbm4b:s2+s13], $0x1, v1, vm0, $0x4038;
	[tilespmem:$0x8400] =	vst v63  }
.Ltmp3:
0xf9: {  	v0 =	vadd.s32 $0x16E3F80, v0;
	(ifvalue) =	ssetifvalue $0x7FFFFFFF;
	(pc) =	sbr.rel @p1 .LBB2_3-.Ltmp3, $4  }
0xfa: {  	s22 =	sadd.s32 $0x3300, s21;
	(ifvalue) =	ssetifvalue $0x7FFFFFFF  }
0xfb: {  	[tilespmem:s22], [sflag:$0x1] =	stream.indirect_vreg.gather [hbm4b:s2+s13], $0x1, v2, vm0, $0x4038;
	[tilespmem:$0x8400] =	vst v63  }
0xfc: {  	s19 =	sadd.s32 $0x10, s19;
	(ifvalue) =	ssetifvalue $0x7FFFFFFF  }
0xfd: {  	s20 =	sadd.s32 $0x80, s20;
	s21 =	sadd.s32 $0x3380, s21;
	(ifvalue) =	ssetifvalue $0x7FFFFFFF  }
.Ltmp4:
0xfe: {  	_ = 	snop;
	(pc) =	sbr.rel .LBB2_4-.Ltmp4, $1  }
0xff: {  	_ =	sdelay $0x3  }
.LBB2_6:
0x100: {  	_ =	sfence.sel $0x180000  }
0x101: {  	s2 =	simm.s32 $0x2;
	[bflag:$0x0] =	sbarrier.arrive $0xFFFF  }
0x102: {  	s30 =	simm.s32 $0x3;
	[sflag:s2] =	ssyncpa.u1 $0x1  }
0x103: {  	s31 =	simm.s32 $0x1;
	[sflag:s30] =	ssyncpa.u1 $0x1  }
0x104: {  	[sflag:s31] =	ssyncpa.u1 $0x1  }
0x105: {  	p0 =	sne.s32 s1, $0x0;
	_ =	strace $0x9000004A  }
0x106: {  	s0 =	sadd.s32 @!p0 $0x100000, s0;
	[bflag:$0x2] =	sbarrier.arrive $0xFFFF  }
0x107: {  	[sflag:s0] =	ssyncadd.tile.s32 @!p0 $0x1;
	_ =	shalt  }
.Lfunc_end2:
_tile_overlayer_lowered:
.L_overlay_start_2:
0x108: {  	(tag) =	ssettag $0x2  }
0x109: {  	s0 =	rddreg [dreg:$0x0];
	s2 =	stileid.u32  }
0x10a: {  	s1 =	rddreg [dreg:$0x1];
	p0 =	sne.s32 s2, $0x0  }
0x10b: {  	s3 =	rddreg [dreg:$0x2];
	[bflag:$0x3] =	sbarrier.arrive $0xFFFF;
	s2 =	simm.s32 @!p0 $0x1C01  }
0x10c: {  	[timem:s3], [sflag:s2] =	dma.local @!p0 [hbm:s0], s1  }
0x10d: {  	s0 =	simm.s32 @!p0 $0x1  }
0x10e: {  	_ =	swait.ge @!p0 [sflag:s0], s1  }
0x10f: {  	s1 =	ssub.s32 @!p0 $0x0, s1;
	[sflag:s0] =	ssyncset.done @!p0 $0x0  }
0x110: {  	[sflag:s0] =	ssyncadd.s32 @!p0 s1  }
0x111: {  	[bflag:$0x3] =	sbarrier.arrive $0xFFFF  }
0x112: {  	_ =	shalt  }

// kernel: gather_offload_async_start
scs
__scs_entry_jumppad:
0x0: {  	(pc) =	sbr.rel $0x88, $3  }
0x1: {  	(tag) =	ssettag $0x0;
	lr =	simm.s32 $0x1  }
0x2: {  	[smem:$0x3F93] =	sst lr;
	_ =	strace $0xD0000000  }
0x3: {  	_ = 	snop  }
0x4: {  	_ = 	snop  }
0x5: {  	_ = 	snop  }
0x6: {  	_ = 	snop  }
0x7: {  	_ = 	snop  }
__scs_overlays_trampoline_lowered:
0x8: {  	[smem:$0x3FA2] =	sst s0  }
0x9: {  	[smem:$0x3FA3] =	sst s1  }
0xa: {  	[smem:$0x3FA4] =	sst s2  }
0xb: {  	[smem:$0x3FA5] =	sst s3  }
0xc: {  	[smem:$0x3FA6] =	sst s4  }
0xd: {  	[smem:$0x3FA7] =	sst s5  }
0xe: {  	[smem:$0x3FA8] =	sst s6  }
0xf: {  	[smem:$0x3FA9] =	sst s7  }
0x10: {  	[smem:$0x3FAA] =	sst s8  }
0x11: {  	[smem:$0x3FAB] =	sst s9;
	s0 =	simm.s32 @!p0 $0x0  }
0x12: {  	s1 =	sld [smem:$0x3F91];
	s0 =	simm.s32 @p0 $0x1  }
0x13: {  	[smem:$0x3FAC] =	sst s0;
	s0 =	simm.s32 @!p1 $0x0  }
0x14: {  	s2 =	sld [smem:$0x3F90];
	s0 =	simm.s32 @p1 $0x1  }
0x15: {  	[smem:$0x3FAD] =	sst s0;
	s0 =	simm.s32 @!p2 $0x0  }
0x16: {  	s3 =	sld [smem:$0x3FDB];
	s0 =	simm.s32 @p2 $0x1  }
0x17: {  	s4 =	simm.s32 $0x1BF5;
	[smem:$0x3FAF] =	sst s0  }
0x18: {  	s0 =	sld [smem:$0x3F92];
	_ =	swait.ge [sflag:s4], $0x0  }
0x19: {  	s7 =	sld [smem:$0x3F93]  }
0x1a: {  	s8 =	sadd.s32 $0xFFFFE003, lr  }
0x1b: {  	s9 =	sadd.s32 $0xFFFFFEF7, lr;
	s5 =	simm.s32 $0xFFFFFFFF;
	p2 =	slt.u32 s8, $0xFFFFF086  }
0x1c: {  	p1 =	slt.u32 s9, $0xF7A;
	s5 =	simm.s32 @!p2 $0x0  }
0x1d: {  	s5 =	simm.s32 @p1 $0x1;
	p0 =	seq.s32 s7, s2  }
0x1e: {  	s7 =	smul.u32 @!p0 $0xF7A, s2;
	p2 =	seq.s32 @!p0 s5, $0x0  }
0x1f: {  	s9 =	smul.u32 $0xF7A, s1;
	s8 =	simm.s32 @!p0 $0x1BF5;
	p2 =	por !p2, p0  }
0x20: {  	[sflag:s8] =	ssyncset.s32 @!p0 $0xFFFFF086;
	s6 =	sadd.s32 @!p0 s3, s7;
	s7 =	simm.s32 @!p0 $0x108  }
0x21: {  	s3 =	sadd.s32 s3, s9;
	s6 =	sadd.s32 @!p0 $0x88, s6;
	s7 =	simm.s32 @p2 $0x1082  }
0x22: {  	[simem:s7], [sflag:s8] =	dma.local @!p0 [hbm:s6], $0xF7A  }
0x23: {  	s9 =	sor.u32 $0xD0000000, s2;
	s6 =	simm.s32 $0x108;
	_ =	swait.ge @!p0 [sflag:s8], $0x0  }
0x24: {  	s3 =	sadd.s32 $0x88, s3;
	s6 =	simm.s32 @!p1 $0x1082;
	[sflag:s4] =	ssyncset.s32 $0xFFFFF086  }
0x25: {  	[simem:s6], [sflag:s4] =	dma.local [hbm:s3], $0xF7A  }
0x26: {  	[smem:$0x3F93] =	sst s1;
	(tag) =	ssettag s2;
	_ =	strace s9  }
0x27: {  	s1 =	sld [smem:$0x3FA3]  }
0x28: {  	s2 =	sld [smem:$0x3FA4]  }
0x29: {  	s4 =	sld [smem:$0x3FA6]  }
0x2a: {  	p0 =	seq.s32 s5, $0x0;
	s5 =	sld [smem:$0x3FA7]  }
0x2b: {  	s6 =	sld [smem:$0x3FA8]  }
0x2c: {  	s7 =	sld [smem:$0x3FA9]  }
0x2d: {  	s3 =	simm.s32 $0x108;
	s8 =	sld [smem:$0x3FAA]  }
0x2e: {  	s3 =	simm.s32 @!p0 $0x1082;
	s9 =	sld [smem:$0x3FAB]  }
0x2f: {  	lr =	sadd.s32 s0, s3;
	s0 =	sld [smem:$0x3FA2]  }
0x30: {  	s3 =	sld [smem:$0x3FA5]  }
0x31: {  	[smem:$0x3FAE] =	sst s10  }
0x32: {  	s10 =	sld [smem:$0x3FAC];
	_ =	sdelay $0x3  }
0x33: {  	p0 =	seq.s32 s10, $0x1;
	s10 =	sld [smem:$0x3FAE];
	_ =	sdelay $0x3  }
0x34: {  	[smem:$0x3FAE] =	sst s10  }
0x35: {  	s10 =	sld [smem:$0x3FAD];
	_ =	sdelay $0x3  }
0x36: {  	p1 =	seq.s32 s10, $0x1;
	s10 =	sld [smem:$0x3FAE];
	_ =	sdelay $0x3  }
0x37: {  	[smem:$0x3FAE] =	sst s10  }
0x38: {  	s10 =	sld [smem:$0x3FAF]  }
0x39: {  	_ = 	snop;
	(pc) =	sbr.ind lr, $3  }
0x3a: {  	_ = 	snop  }
0x3b: {  	_ = 	snop  }
0x3c: {  	p2 =	seq.s32 s10, $0x1;
	s10 =	sld [smem:$0x3FAE]  }
0x3d: {  	_ =	shalt  }
0x3e: {  	_ =	shalt  }
0x3f: {  	_ =	shalt  }
0x40: {  	_ =	shalt  }
0x41: {  	_ =	shalt  }
0x42: {  	_ =	shalt  }
0x43: {  	_ =	shalt  }
0x44: {  	_ =	shalt  }
0x45: {  	_ =	shalt  }
0x46: {  	_ =	shalt  }
0x47: {  	_ =	shalt  }
0x48: {  	_ =	shalt  }
0x49: {  	_ =	shalt  }
0x4a: {  	_ =	shalt  }
0x4b: {  	_ =	shalt  }
0x4c: {  	_ =	shalt  }
0x4d: {  	_ =	shalt  }
0x4e: {  	_ =	shalt  }
0x4f: {  	_ =	shalt  }
0x50: {  	_ =	shalt  }
0x51: {  	_ =	shalt  }
0x52: {  	_ =	shalt  }
0x53: {  	_ =	shalt  }
0x54: {  	_ =	shalt  }
0x55: {  	_ =	shalt  }
0x56: {  	_ =	shalt  }
0x57: {  	_ =	shalt  }
0x58: {  	_ =	shalt  }
0x59: {  	_ =	shalt  }
0x5a: {  	_ =	shalt  }
0x5b: {  	_ =	shalt  }
0x5c: {  	_ =	shalt  }
0x5d: {  	_ =	shalt  }
0x5e: {  	_ =	shalt  }
0x5f: {  	_ =	shalt  }
0x60: {  	_ =	shalt  }
0x61: {  	_ =	shalt  }
0x62: {  	_ =	shalt  }
0x63: {  	_ =	shalt  }
0x64: {  	_ =	shalt  }
0x65: {  	_ =	shalt  }
0x66: {  	_ =	shalt  }
0x67: {  	_ =	shalt  }
0x68: {  	_ =	shalt  }
0x69: {  	_ =	shalt  }
0x6a: {  	_ =	shalt  }
0x6b: {  	_ =	shalt  }
0x6c: {  	_ =	shalt  }
0x6d: {  	_ =	shalt  }
0x6e: {  	_ =	shalt  }
0x6f: {  	_ =	shalt  }
0x70: {  	_ =	shalt  }
0x71: {  	_ =	shalt  }
0x72: {  	_ =	shalt  }
0x73: {  	_ =	shalt  }
0x74: {  	_ =	shalt  }
0x75: {  	_ =	shalt  }
0x76: {  	_ =	shalt  }
0x77: {  	_ =	shalt  }
0x78: {  	_ =	shalt  }
0x79: {  	_ =	shalt  }
0x7a: {  	_ =	shalt  }
0x7b: {  	_ =	shalt  }
0x7c: {  	_ =	shalt  }
0x7d: {  	_ =	shalt  }
0x7e: {  	_ =	shalt  }
0x7f: {  	_ =	shalt  }
0x80: {  	_ =	shalt  }
0x81: {  	_ =	shalt  }
0x82: {  	_ =	shalt  }
0x83: {  	_ =	shalt  }
0x84: {  	_ =	shalt  }
0x85: {  	_ =	shalt  }
0x86: {  	_ =	shalt  }
0x87: {  	_ =	shalt  }
.Lfunc_end0:
.L_simem_size_0:
called_computation_lowered:
.L_overlay_start_0:
0x88: {  	s2 =	sld [smem:$0x3FD9]  }
0x89: {  	s3 =	sld [smem:$0x3FFE];
	_ =	sdelay $0x1  }
0x8a: {  	s1 =	srdreg.scid  }
0x8b: {  	s0 =	sand.u32 $0x1, s1  }
0x8c: {  	s17 =	sshll.u32 s0, $0xA;
	s2 =	sadd.s32 s3, s2  }
0x8d: {  	s2 =	sadd.s32 s2, s17  }
0x8e: {  	[smem:$0x3FBA] =	sst s2  }
0x8f: {  	_ = 	snop  }
0x90: {  	s2 =	sld [smem:$0x3FC7];
	(tm) =	ssettm $0x1  }
0x91: {  	s18 =	sld [smem:$0x3FFB];
	_ =	sdelay $0x3  }
0x92: {  	_ =	strace s18  }
0x93: {  	s3 =	sld [smem:$0x3FFC];
	_ =	sdelay $0x3  }
0x94: {  	_ =	strace s3  }
0x95: {  	s3 =	sld [smem:$0x3FFD];
	_ =	sdelay $0x3  }
0x96: {  	_ =	strace s3  }
0x97: {  	_ =	strace $0x8FFFFFFF  }
0x98: {  	s19 =	sld [smem:$0x3FDB];
	_ =	sdelay $0x1  }
0x99: {  	s4 =	simm.s32 $_scs_section_size  }
0x9a: {  	s5 =	simm.s32 $_size__tile_overlayer_lowered;
	s6 =	simm.s32 $_tile_overlayer_lowered  }
0x9b: {  	s22 =	simm.s32 $0x1BFF;
	s21 =	sshll.u32 s6, $0x1;
	s3 =	sadd.s32 s4, s19  }
0x9c: {  	s7 =	simm.s32 $0x0;
	s20 =	sshll.u32 s5, $0x1;
	s5 =	sadd.s32 s21, s3  }
0x9d: {  	[timem:s7], [sflag:s22] =	dma.local [hbm:s5], s20  }
0x9e: {  	_ =	swait.ge [sflag:s22], s20  }
0x9f: {  	s4 =	ssub.s32 $0x0, s20;
	[sflag:s22] =	ssyncset.done $0x0  }
0xa0: {  	[sflag:s22] =	ssyncadd.s32 s4;
	_ =	sdelay $0x1  }
0xa1: {  	s23 =	simm.s32 $0x1B8B  }
0xa2: {  	_ =	swait.ge [sflag:s23], $0x1  }
0xa3: {  	[sflag:s23] =	ssyncset.done $0x0  }
0xa4: {  	s25 =	simm.s32 $0x1B8E;
	s24 =	sld [smem:$0x3FFE];
	[sflag:s23] =	ssyncadd.s32 $0xFFFFFFFF  }
0xa5: {  	s26 =	simm.s32 $execute0_lowered;
	[smem:$0x3FD2] =	sst s25  }
0xa6: {  	s5 =	sshll.u32 s26, $0x1;
	_ =	strace $0x80000046;
	[dreg:$0x1] =	wrdreg $0xFFFFFFFF  }
0xa7: {  	s28 =	simm.s32 $_size_execute0_lowered;
	s3 =	sadd.s32 s3, s5;
	[dreg:$0x0] =	wrdreg $0x0  }
0xa8: {  	s5 =	sshll.u32 s28, $0x1;
	[dreg:$0x2] =	wrdreg s3  }
0xa9: {  	[dreg:$0x3] =	wrdreg s5  }
0xaa: {  	[dreg:$0x4] =	wrdreg $0xC0  }
0xab: {  	_ =	task [dreg:s7], $0x5FFFF  }
0xac: {  	[dreg:$0x1] =	wrdreg $0xFFFFFFFF  }
0xad: {  	[dreg:$0x0] =	wrdreg $0x60  }
0xae: {  	[dreg:$0x2] =	wrdreg s2  }
0xaf: {  	[dreg:$0x3] =	wrdreg s24  }
0xb0: {  	[dreg:$0x4] =	wrdreg $0x9  }
0xb1: {  	_ =	task.clear_ibuf [dreg:s7], $0x5FFFF;
	_ =	strace $0x90000046  }
0xb2: {  	s29 =	simm.s32 $0x9;
	_ =	strace $0x80000048  }
0xb3: {  	_ =	swait.ge [sflag:s29], $0x1  }
0xb4: {  	[sflag:s29] =	ssyncadd.s32 $0xFFFFFFFF  }
0xb5: {  	_ =	strace $0x90000048  }
0xb6: {  	_ =	sfence  }
0xb7: {  	s30 =	sld [smem:$0x0];
	_ =	sdelay $0x2  }
0xb8: {  	s31 =	sshll.u32 s1, $0xD;
	s1 =	sshrl.u32 s1, $0x2  }
0xb9: {  	s3 =	sand.u32 $0x4000, s31;
	s1 =	sadd.s32 s1, s30  }
0xba: {  	s0 =	sor.u32 s3, s0;
	s1 =	sshll.u32 s1, $0x11  }
0xbb: {  	s0 =	sor.u32 s1, s0  }
0xbc: {  	s0 =	sadd.s32 $0x8F2B, s0  }
0xbd: {  	[sflag:s0] =	ssyncadd.remote.s32 $0x1  }
0xbe: {  	_ =	sfence.sel $0xFFFF  }
0xbf: {  	[dreg:$0x0] =	wrdreg $0xFFFFFFFF;
	(pc) =	sbr.abs _section_cstart, $3  }
0xc0: {  	[dreg:$0x1] =	wrdreg $0xFFFFFFFF  }
0xc1: {  	_ =	task.clear_ibuf [dreg:s7], $0x2FFFF;
	_ =	strace $0x9FFFFFFF  }
0xc2: {  	(tm) =	ssettm $0x7FFFFFFF  }
0xc3: {  	_ =	shalt  }
tec
execute0_lowered:
.L_overlay_start_1:
0x0: {  	(tag) =	ssettag $0x1  }
0x1: {  	s1 =	srdreg.scid  }
0x2: {  	s2 =	rddreg [dreg:$0x0];
	s0 =	stileid.u32  }
0x3: {  	s11 =	rddreg [dreg:$0x1];
	s5 =	simm.s32 $0x2;
	s1 =	sshll.u32 s1, $0x9  }
0x4: {  	s9 =	simm.s32 $0x3;
	s3 =	sshll.u32 s0, $0xA;
	s4 =	sand.u32 $0x200, s1  }
0x5: {  	s13 =	simm.s32 $0x0;
	s15 =	simm.s32 $0x0;
	s3 =	sor.u32 s3, s4  }
0x6: {  	s14 =	simm.s32 $0x0;
	s1 =	rddreg [dreg:$0x2];
	s4 =	sshrl.u32 s3, $0x3  }
0x7: {  	_ =	strace $0x80000047;
	s6 =	ssub.s32 $0x4000, s3;
	s8 =	sadd.s32 s4, s11  }
0x8: {  	s4 =	simm.s32 $0x1;
	s7 =	sand.u32 $0x3E00, s6;
	s10 =	sshrl.u32 s6, $0xE  }
.Ltmp0:
0x9: {  	s6 =	sadd.s32 $0x3000, s11;
	[sflag:s4] =	ssyncpa.u1 $0x0;
	(pc) =	sbr.rel .LBB2_1-.Ltmp0, $4  }
0xa: {  	p0 =	sne.s32 s7, $0x0;
	s7 =	simm.s32 $0x1;
	s8 =	sadd.s32 $0x2800, s8  }
0xb: {  	[sflag:s5] =	ssyncpa.u1 $0x0;
	s7 =	simm.s32 @!p0 $0x0;
	p0 =	por $0x0, $0x0  }
0xc: {  	[sflag:s9] =	ssyncpa.u1 $0x0;
	s7 =	sadd.s32 s7, s10;
	s9 =	sadd.s32 $0x7000, s11  }
0xd: {  	vm0 =	vmmov $0xffff;
	s10 =	sadd.s32 $0xB000, s11;
	s11 =	sadd.s32 $0xF000, s11;
	s12 =	sadd.s32 $0x1, s7  }
.LBB2_4:
0xe: {  	_ =	sdelay $0x3  }
0xf: {  	[tilespmem:s21], [sflag:$0x1] =	stream.indirect_vreg.gather [hbm4b:s2+s13], $0x1, v0, vm0, $0x4038;
	[tilespmem:$0x8400] =	vst v63  }
0x10: {  	s18 =	sshll.u32 s15, $0x3  }
0x11: {  	s24 =	sand.u32 $0x78, s15;
	s18 =	sand.u32 $0x7FFFFC00, s18  }
0x12: {  	_ =	swait.ge [sflag:s4], $0x4000;
	s15 =	sor.u32 s24, s18  }
0x13: {  	[sflag:s4] =	ssyncset.done $0x0;
	s15 =	sshrl.u32 s15, $0x3  }
0x14: {  	[sflag:s4] =	ssyncadd.s32 $0xFFFFC000;
	s25 =	sadd.s32 s6, s15  }
0x15: {  	[hbm:s25] =	stream.linear.scatter [tilespmem:s17], [sflag:$0x3], $0x1000, $0x38;
	[tilespmem:$0x8400] =	vst v63  }
0x16: {  	s26 =	sadd.s32 $0x1400, s16;
	s28 =	sadd.s32 s15, s9  }
0x17: {  	[hbm:s28] =	stream.linear.scatter [tilespmem:s26], [sflag:$0x3], $0x1000, $0x38;
	[tilespmem:$0x8400] =	vst v63  }
0x18: {  	s29 =	sadd.s32 $0x2400, s16;
	s30 =	sadd.s32 s15, s10  }
0x19: {  	[hbm:s30] =	stream.linear.scatter [tilespmem:s29], [sflag:$0x3], $0x1000, $0x38;
	[tilespmem:$0x8400] =	vst v63  }
0x1a: {  	s31 =	sadd.s32 $0x3400, s16;
	s15 =	sadd.s32 s15, s11  }
0x1b: {  	[hbm:s15] =	stream.linear.scatter [tilespmem:s31], [sflag:$0x3], $0x1000, $0x38;
	[tilespmem:$0x8400] =	vst v63  }
.LBB2_5:
0x1c: {  	p2 =	sne.s32 s14, s12  }
.Ltmp1:
0x1d: {  	p1 =	slt.u32 s14, $0x2;
	(pc) =	sbr.rel @!p2 .LBB2_6-.Ltmp1, $4  }
0x1e: {  	s15 =	simm.s32 @!p1 $0x3  }
0x1f: {  	_ =	swait.ge @!p1 [sflag:s15], $0x4000  }
0x20: {  	s16 =	sadd.s32 $0x1, s14;
	p0 =	por !p0, !p0;
	[sflag:s15] =	ssyncset.done @!p1 $0x0  }
0x21: {  	s14 =	smov.u32 s16;
	[sflag:s15] =	ssyncadd.s32 @!p1 $0xFFFFC000;
	s15 =	smov.u32 s3  }
.LBB2_1:
0x22: {  	p1 =	sge.u32 s14, s7  }
0x23: {  	s16 =	sxor.u32 @!p1 $0xFFFFFFFF, s14  }
0x24: {  	s16 =	sshll.u32 @!p1 s16, $0x9  }
0x25: {  	s31 =	sadd.s32 $0xFFFFFFFF, s14;
	s17 =	simm.s32 @!p1 $0x0;
	s16 =	sand.u32 @!p1 $0x200, s16  }
0x26: {  	[tilespmem:s16], [sflag:$0x2] =	stream.linear.gather @!p1 [hbm4b:s8+s17], $0x200, $0x38;
	[tilespmem:$0x8400] =	vst v63  }
0x27: {  	p1 =	sge.u32 s31, s7  }
.Ltmp2:
0x28: {  	_ = 	snop;
	(pc) =	sbr.rel @p1 .LBB2_5-.Ltmp2, $1  }
0x29: {  	_ =	sdelay $0x3  }
0x2a: {  	s16 =	simm.s32 $0x1;
	_ =	swait.ge [sflag:s5], $0x200  }
0x2b: {  	s16 =	simm.s32 @!p0 $0x0;
	[sflag:s5] =	ssyncset.done $0x0  }
0x2c: {  	s19 =	sshll.u32 s16, $0x9;
	[sflag:s5] =	ssyncadd.s32 $0xFFFFFE00  }
0x2d: {  	v0 =	vld.msk [tilespmem:s19+$0x0 ss:$0x1], $0xffff;
	_ =	sdelay $0x4  }
0x2e: {  	vm1 =	vgt.s32 v0, $0x0  }
0x2f: {  	v0 =	vnsel vm1, $0x0, v0  }
0x30: {  	v0 =	vmin.u32 v0, $0xF423F  }
0x31: {  	v1 =	vshll.u32 v0, $0x3  }
0x32: {  	v0 =	vand.u32 $0x7F, v0;
	v1 =	vand.u32 $0x7FFC00, v1  }
0x33: {  	s22 =	sshll.u32 s14, $0xE;
	v0 =	vor.u32 v0, v1  }
0x34: {  	s18 =	simm.s32 $0x0;
	s16 =	sand.u32 $0x4000, s22  }
0x35: {  	s20 =	sand.u32 $0xC00, s18;
	s17 =	sor.u32 $0x400, s16  }
0x36: {  	s21 =	sand.u32 $0x70, s18;
	(ifvalue) =	ssetifvalue $0x7FFFFFFF;
	s20 =	sadd.s32 s20, s17;
	v1 =	vor.u32 $0x80, v0  }
0x37: {  	(ifvalue) =	ssetifvalue $0x7FFFFFFF;
	s20 =	sadd.s32 s21, s20  }
0x38: {  	[tilespmem:s20], [sflag:$0x1] =	stream.indirect_vreg.gather [hbm4b:s2+s13], $0x1, v0, vm0, $0x4038;
	[tilespmem:$0x8400] =	vst v63  }
0x39: {  	v2 =	vor.u32 $0x100, v0;
	(ifvalue) =	ssetifvalue $0x7FFFFFFF  }
0x3a: {  	s21 =	sadd.s32 $0x80, s20;
	(ifvalue) =	ssetifvalue $0x7FFFFFFF  }
0x3b: {  	[tilespmem:s21], [sflag:$0x1] =	stream.indirect_vreg.gather [hbm4b:s2+s13], $0x1, v1, vm0, $0x4038;
	[tilespmem:$0x8400] =	vst v63  }
0x3c: {  	v1 =	vor.u32 $0x180, v0;
	(ifvalue) =	ssetifvalue $0x7FFFFFFF  }
0x3d: {  	s23 =	sadd.s32 $0x100, s20;
	(ifvalue) =	ssetifvalue $0x7FFFFFFF  }
0x3e: {  	[tilespmem:s23], [sflag:$0x1] =	stream.indirect_vreg.gather [hbm4b:s2+s13], $0x1, v2, vm0, $0x4038;
	[tilespmem:$0x8400] =	vst v63  }
0x3f: {  	v2 =	vor.u32 $0x200, v0;
	(ifvalue) =	ssetifvalue $0x7FFFFFFF  }
0x40: {  	s24 =	sadd.s32 $0x180, s20;
	(ifvalue) =	ssetifvalue $0x7FFFFFFF  }
0x41: {  	[tilespmem:s24], [sflag:$0x1] =	stream.indirect_vreg.gather [hbm4b:s2+s13], $0x1, v1, vm0, $0x4038;
	[tilespmem:$0x8400] =	vst v63  }
0x42: {  	(ifvalue) =	ssetifvalue $0x7FFFFFFF;
	v1 =	vor.u32 $0x280, v0  }
0x43: {  	s25 =	sadd.s32 $0x200, s20;
	(ifvalue) =	ssetifvalue $0x7FFFFFFF  }
0x44: {  	[tilespmem:s25], [sflag:$0x1] =	stream.indirect_vreg.gather [hbm4b:s2+s13], $0x1, v2, vm0, $0x4038;
	[tilespmem:$0x8400] =	vst v63  }
0x45: {  	(ifvalue) =	ssetifvalue $0x7FFFFFFF;
	v2 =	vor.u32 $0x300, v0  }
0x46: {  	s26 =	sadd.s32 $0x280, s20;
	(ifvalue) =	ssetifvalue $0x7FFFFFFF  }
0x47: {  	[tilespmem:s26], [sflag:$0x1] =	stream.indirect_vreg.gather [hbm4b:s2+s13], $0x1, v1, vm0, $0x4038;
	[tilespmem:$0x8400] =	vst v63  }
0x48: {  	(ifvalue) =	ssetifvalue $0x7FFFFFFF;
	v1 =	vor.u32 $0x380, v0  }
0x49: {  	s18 =	sor.u32 s18, s18;
	s28 =	sadd.s32 $0x300, s20;
	(ifvalue) =	ssetifvalue $0x7FFFFFFF  }
0x4a: {  	[tilespmem:s28], [sflag:$0x1] =	stream.indirect_vreg.gather [hbm4b:s2+s13], $0x1, v2, vm0, $0x4038;
	[tilespmem:$0x8400] =	vst v63  }
0x4b: {  	s18 =	sor.u32 $0x380, s18;
	(ifvalue) =	ssetifvalue $0x7FFFFFFF;
	v2 =	vadd.s32 $0x7A1400, v0  }
0x4c: {  	s18 =	sadd.s32 s18, s17;
	(ifvalue) =	ssetifvalue $0x7FFFFFFF  }
0x4d: {  	[tilespmem:s18], [sflag:$0x1] =	stream.indirect_vreg.gather [hbm4b:s2+s13], $0x1, v1, vm0, $0x4038;
	[tilespmem:$0x8400] =	vst v63  }
0x4e: {  	(ifvalue) =	ssetifvalue $0x7FFFFFFF;
	v1 =	vadd.s32 $0x7A1480, v0  }
0x4f: {  	s29 =	sadd.s32 $0x1000, s20;
	(ifvalue) =	ssetifvalue $0x7FFFFFFF  }
0x50: {  	[tilespmem:s29], [sflag:$0x1] =	stream.indirect_vreg.gather [hbm4b:s2+s13], $0x1, v2, vm0, $0x4038;
	[tilespmem:$0x8400] =	vst v63  }
0x51: {  	(ifvalue) =	ssetifvalue $0x7FFFFFFF;
	v2 =	vadd.s32 $0x7A1500, v0  }
0x52: {  	s30 =	sadd.s32 $0x1080, s20;
	(ifvalue) =	ssetifvalue $0x7FFFFFFF  }
0x53: {  	[tilespmem:s30], [sflag:$0x1] =	stream.indirect_vreg.gather [hbm4b:s2+s13], $0x1, v1, vm0, $0x4038;
	[tilespmem:$0x8400] =	vst v63  }
0x54: {  	(ifvalue) =	ssetifvalue $0x7FFFFFFF;
	v1 =	vadd.s32 $0x7A1580, v0  }
0x55: {  	s31 =	sadd.s32 $0x1100, s20;
	(ifvalue) =	ssetifvalue $0x7FFFFFFF  }
0x56: {  	[tilespmem:s31], [sflag:$0x1] =	stream.indirect_vreg.gather [hbm4b:s2+s13], $0x1, v2, vm0, $0x4038;
	[tilespmem:$0x8400] =	vst v63  }
0x57: {  	(ifvalue) =	ssetifvalue $0x7FFFFFFF;
	v2 =	vadd.s32 $0x7A1600, v0  }
0x58: {  	s21 =	sadd.s32 $0x1180, s20;
	(ifvalue) =	ssetifvalue $0x7FFFFFFF  }
0x59: {  	[tilespmem:s21], [sflag:$0x1] =	stream.indirect_vreg.gather [hbm4b:s2+s13], $0x1, v1, vm0, $0x4038;
	[tilespmem:$0x8400] =	vst v63  }
0x5a: {  	(ifvalue) =	ssetifvalue $0x7FFFFFFF;
	v1 =	vadd.s32 $0x7A1680, v0  }
0x5b: {  	s22 =	sadd.s32 $0x1200, s20;
	(ifvalue) =	ssetifvalue $0x7FFFFFFF  }
0x5c: {  	[tilespmem:s22], [sflag:$0x1] =	stream.indirect_vreg.gather [hbm4b:s2+s13], $0x1, v2, vm0, $0x4038;
	[tilespmem:$0x8400] =	vst v63  }
0x5d: {  	(ifvalue) =	ssetifvalue $0x7FFFFFFF;
	v2 =	vadd.s32 $0x7A1700, v0  }
0x5e: {  	s23 =	sadd.s32 $0x1280, s20;
	(ifvalue) =	ssetifvalue $0x7FFFFFFF  }
0x5f: {  	[tilespmem:s23], [sflag:$0x1] =	stream.indirect_vreg.gather [hbm4b:s2+s13], $0x1, v1, vm0, $0x4038;
	[tilespmem:$0x8400] =	vst v63  }
0x60: {  	(ifvalue) =	ssetifvalue $0x7FFFFFFF;
	v1 =	vadd.s32 $0x7A1780, v0  }
0x61: {  	s24 =	sadd.s32 $0x1300, s20;
	(ifvalue) =	ssetifvalue $0x7FFFFFFF  }
0x62: {  	[tilespmem:s24], [sflag:$0x1] =	stream.indirect_vreg.gather [hbm4b:s2+s13], $0x1, v2, vm0, $0x4038;
	[tilespmem:$0x8400] =	vst v63  }
0x63: {  	(ifvalue) =	ssetifvalue $0x7FFFFFFF;
	v2 =	vadd.s32 $0xF42800, v0  }
0x64: {  	s25 =	sadd.s32 $0x1380, s20;
	(ifvalue) =	ssetifvalue $0x7FFFFFFF  }
0x65: {  	[tilespmem:s25], [sflag:$0x1] =	stream.indirect_vreg.gather [hbm4b:s2+s13], $0x1, v1, vm0, $0x4038;
	[tilespmem:$0x8400] =	vst v63  }
0x66: {  	(ifvalue) =	ssetifvalue $0x7FFFFFFF;
	v1 =	vadd.s32 $0xF42880, v0  }
0x67: {  	s26 =	sadd.s32 $0x2000, s20;
	(ifvalue) =	ssetifvalue $0x7FFFFFFF  }
0x68: {  	[tilespmem:s26], [sflag:$0x1] =	stream.indirect_vreg.gather [hbm4b:s2+s13], $0x1, v2, vm0, $0x4038;
	[tilespmem:$0x8400] =	vst v63  }
0x69: {  	(ifvalue) =	ssetifvalue $0x7FFFFFFF;
	v2 =	vadd.s32 $0xF42900, v0  }
0x6a: {  	s28 =	sadd.s32 $0x2080, s20;
	(ifvalue) =	ssetifvalue $0x7FFFFFFF  }
0x6b: {  	[tilespmem:s28], [sflag:$0x1] =	stream.indirect_vreg.gather [hbm4b:s2+s13], $0x1, v1, vm0, $0x4038;
	[tilespmem:$0x8400] =	vst v63  }
0x6c: {  	(ifvalue) =	ssetifvalue $0x7FFFFFFF;
	v1 =	vadd.s32 $0xF42980, v0  }
0x6d: {  	s29 =	sadd.s32 $0x2100, s20;
	(ifvalue) =	ssetifvalue $0x7FFFFFFF  }
0x6e: {  	[tilespmem:s29], [sflag:$0x1] =	stream.indirect_vreg.gather [hbm4b:s2+s13], $0x1, v2, vm0, $0x4038;
	[tilespmem:$0x8400] =	vst v63  }
0x6f: {  	(ifvalue) =	ssetifvalue $0x7FFFFFFF;
	v2 =	vadd.s32 $0xF42A00, v0  }
0x70: {  	s30 =	sadd.s32 $0x2180, s20;
	(ifvalue) =	ssetifvalue $0x7FFFFFFF  }
0x71: {  	[tilespmem:s30], [sflag:$0x1] =	stream.indirect_vreg.gather [hbm4b:s2+s13], $0x1, v1, vm0, $0x4038;
	[tilespmem:$0x8400] =	vst v63  }
0x72: {  	(ifvalue) =	ssetifvalue $0x7FFFFFFF;
	v1 =	vadd.s32 $0xF42A80, v0  }
0x73: {  	s31 =	sadd.s32 $0x2200, s20;
	(ifvalue) =	ssetifvalue $0x7FFFFFFF  }
0x74: {  	[tilespmem:s31], [sflag:$0x1] =	stream.indirect_vreg.gather [hbm4b:s2+s13], $0x1, v2, vm0, $0x4038;
	[tilespmem:$0x8400] =	vst v63  }
0x75: {  	(ifvalue) =	ssetifvalue $0x7FFFFFFF;
	v2 =	vadd.s32 $0xF42B00, v0  }
0x76: {  	s21 =	sadd.s32 $0x2280, s20;
	(ifvalue) =	ssetifvalue $0x7FFFFFFF  }
0x77: {  	[tilespmem:s21], [sflag:$0x1] =	stream.indirect_vreg.gather [hbm4b:s2+s13], $0x1, v1, vm0, $0x4038;
	[tilespmem:$0x8400] =	vst v63  }
0x78: {  	(ifvalue) =	ssetifvalue $0x7FFFFFFF;
	v1 =	vadd.s32 $0xF42B80, v0  }
0x79: {  	s22 =	sadd.s32 $0x2300, s20;
	(ifvalue) =	ssetifvalue $0x7FFFFFFF  }
0x7a: {  	[tilespmem:s22], [sflag:$0x1] =	stream.indirect_vreg.gather [hbm4b:s2+s13], $0x1, v2, vm0, $0x4038;
	[tilespmem:$0x8400] =	vst v63  }
0x7b: {  	(ifvalue) =	ssetifvalue $0x7FFFFFFF;
	v2 =	vadd.s32 $0x16E3C00, v0  }
0x7c: {  	s23 =	sadd.s32 $0x2380, s20;
	(ifvalue) =	ssetifvalue $0x7FFFFFFF  }
0x7d: {  	[tilespmem:s23], [sflag:$0x1] =	stream.indirect_vreg.gather [hbm4b:s2+s13], $0x1, v1, vm0, $0x4038;
	[tilespmem:$0x8400] =	vst v63  }
0x7e: {  	(ifvalue) =	ssetifvalue $0x7FFFFFFF;
	v1 =	vadd.s32 $0x16E3C80, v0  }
0x7f: {  	s24 =	sadd.s32 $0x3000, s20;
	(ifvalue) =	ssetifvalue $0x7FFFFFFF  }
0x80: {  	[tilespmem:s24], [sflag:$0x1] =	stream.indirect_vreg.gather [hbm4b:s2+s13], $0x1, v2, vm0, $0x4038;
	[tilespmem:$0x8400] =	vst v63  }
0x81: {  	(ifvalue) =	ssetifvalue $0x7FFFFFFF;
	v2 =	vadd.s32 $0x16E3D00, v0  }
0x82: {  	s25 =	sadd.s32 $0x3080, s20;
	(ifvalue) =	ssetifvalue $0x7FFFFFFF  }
0x83: {  	[tilespmem:s25], [sflag:$0x1] =	stream.indirect_vreg.gather [hbm4b:s2+s13], $0x1, v1, vm0, $0x4038;
	[tilespmem:$0x8400] =	vst v63  }
0x84: {  	(ifvalue) =	ssetifvalue $0x7FFFFFFF;
	v1 =	vadd.s32 $0x16E3D80, v0  }
0x85: {  	s26 =	sadd.s32 $0x3100, s20;
	(ifvalue) =	ssetifvalue $0x7FFFFFFF  }
0x86: {  	[tilespmem:s26], [sflag:$0x1] =	stream.indirect_vreg.gather [hbm4b:s2+s13], $0x1, v2, vm0, $0x4038;
	[tilespmem:$0x8400] =	vst v63  }
0x87: {  	(ifvalue) =	ssetifvalue $0x7FFFFFFF;
	v2 =	vadd.s32 $0x16E3E00, v0  }
0x88: {  	s28 =	sadd.s32 $0x3180, s20;
	(ifvalue) =	ssetifvalue $0x7FFFFFFF  }
0x89: {  	[tilespmem:s28], [sflag:$0x1] =	stream.indirect_vreg.gather [hbm4b:s2+s13], $0x1, v1, vm0, $0x4038;
	[tilespmem:$0x8400] =	vst v63  }
0x8a: {  	(ifvalue) =	ssetifvalue $0x7FFFFFFF;
	v1 =	vadd.s32 $0x16E3E80, v0  }
0x8b: {  	s29 =	sadd.s32 $0x3200, s20;
	(ifvalue) =	ssetifvalue $0x7FFFFFFF  }
0x8c: {  	[tilespmem:s29], [sflag:$0x1] =	stream.indirect_vreg.gather [hbm4b:s2+s13], $0x1, v2, vm0, $0x4038;
	[tilespmem:$0x8400] =	vst v63  }
0x8d: {  	(ifvalue) =	ssetifvalue $0x7FFFFFFF;
	v2 =	vadd.s32 $0x16E3F00, v0  }
0x8e: {  	s30 =	sadd.s32 $0x3280, s20;
	(ifvalue) =	ssetifvalue $0x7FFFFFFF  }
0x8f: {  	[tilespmem:s30], [sflag:$0x1] =	stream.indirect_vreg.gather [hbm4b:s2+s13], $0x1, v1, vm0, $0x4038;
	[tilespmem:$0x8400] =	vst v63  }
0x90: {  	v0 =	vadd.s32 $0x16E3F80, v0;
	(ifvalue) =	ssetifvalue $0x7FFFFFFF  }
0x91: {  	s31 =	sadd.s32 $0x3300, s20;
	(ifvalue) =	ssetifvalue $0x7FFFFFFF  }
0x92: {  	[tilespmem:s31], [sflag:$0x1] =	stream.indirect_vreg.gather [hbm4b:s2+s13], $0x1, v2, vm0, $0x4038;
	[tilespmem:$0x8400] =	vst v63  }
0x93: {  	s19 =	sadd.s32 $0x10, s19;
	s18 =	simm.s32 $0x10;
	(ifvalue) =	ssetifvalue $0x7FFFFFFF  }
0x94: {  	s21 =	sadd.s32 $0x3380, s20;
	s20 =	simm.s32 $0x80;
	(ifvalue) =	ssetifvalue $0x7FFFFFFF  }
.LBB2_3:
0x95: {  	[tilespmem:s21], [sflag:$0x1] =	stream.indirect_vreg.gather [hbm4b:s2+s13], $0x1, v0, vm0, $0x4038;
	[tilespmem:$0x8400] =	vst v63  }
0x96: {  	p1 =	sne.s32 s18, $0x1F0;
	s22 =	smov.u32 s18;
	s18 =	sadd.s32 $0x10, s18;
	v0 =	vld.msk [tilespmem:s19+$0x0 ss:$0x1], $0xffff  }
0x97: {  	(ifvalue) =	ssetifvalue $0x7FFFFFFF;
	_ =	sdelay $0x4  }
0x98: {  	vm1 =	vgt.s32 v0, $0x0  }
0x99: {  	v0 =	vnsel vm1, $0x0, v0  }
0x9a: {  	v0 =	vmin.u32 v0, $0xF423F  }
0x9b: {  	v1 =	vshll.u32 v0, $0x3  }
0x9c: {  	v0 =	vand.u32 $0x7F, v0;
	v1 =	vand.u32 $0x7FFC00, v1  }
0x9d: {  	v0 =	vor.u32 v0, v1;
	_ =	sdelay $0x1  }
0x9e: {  	s21 =	sand.u32 $0xC00, s20  }
0x9f: {  	s23 =	sand.u32 $0x70, s22;
	s21 =	sadd.s32 s21, s17;
	v1 =	vor.u32 $0x80, v0  }
0xa0: {  	s21 =	sadd.s32 s23, s21;
	(ifvalue) =	ssetifvalue $0x7FFFFFFF  }
0xa1: {  	[tilespmem:s21], [sflag:$0x1] =	stream.indirect_vreg.gather [hbm4b:s2+s13], $0x1, v0, vm0, $0x4038;
	[tilespmem:$0x8400] =	vst v63  }
0xa2: {  	v2 =	vor.u32 $0x100, v0;
	(ifvalue) =	ssetifvalue $0x7FFFFFFF  }
0xa3: {  	s23 =	sadd.s32 $0x80, s21;
	(ifvalue) =	ssetifvalue $0x7FFFFFFF  }
0xa4: {  	[tilespmem:s23], [sflag:$0x1] =	stream.indirect_vreg.gather [hbm4b:s2+s13], $0x1, v1, vm0, $0x4038;
	[tilespmem:$0x8400] =	vst v63  }
0xa5: {  	v1 =	vor.u32 $0x180, v0;
	(ifvalue) =	ssetifvalue $0x7FFFFFFF  }
0xa6: {  	s23 =	sadd.s32 $0x100, s21;
	(ifvalue) =	ssetifvalue $0x7FFFFFFF  }
0xa7: {  	[tilespmem:s23], [sflag:$0x1] =	stream.indirect_vreg.gather [hbm4b:s2+s13], $0x1, v2, vm0, $0x4038;
	[tilespmem:$0x8400] =	vst v63  }
0xa8: {  	v2 =	vor.u32 $0x200, v0;
	(ifvalue) =	ssetifvalue $0x7FFFFFFF  }
0xa9: {  	s23 =	sadd.s32 $0x180, s21;
	(ifvalue) =	ssetifvalue $0x7FFFFFFF  }
0xaa: {  	[tilespmem:s23], [sflag:$0x1] =	stream.indirect_vreg.gather [hbm4b:s2+s13], $0x1, v1, vm0, $0x4038;
	[tilespmem:$0x8400] =	vst v63  }
0xab: {  	v1 =	vor.u32 $0x280, v0;
	(ifvalue) =	ssetifvalue $0x7FFFFFFF  }
0xac: {  	s23 =	sadd.s32 $0x200, s21;
	(ifvalue) =	ssetifvalue $0x7FFFFFFF  }
0xad: {  	[tilespmem:s23], [sflag:$0x1] =	stream.indirect_vreg.gather [hbm4b:s2+s13], $0x1, v2, vm0, $0x4038;
	[tilespmem:$0x8400] =	vst v63  }
0xae: {  	v2 =	vor.u32 $0x300, v0;
	(ifvalue) =	ssetifvalue $0x7FFFFFFF  }
0xaf: {  	s23 =	sadd.s32 $0x280, s21;
	(ifvalue) =	ssetifvalue $0x7FFFFFFF  }
0xb0: {  	[tilespmem:s23], [sflag:$0x1] =	stream.indirect_vreg.gather [hbm4b:s2+s13], $0x1, v1, vm0, $0x4038;
	[tilespmem:$0x8400] =	vst v63  }
0xb1: {  	v1 =	vor.u32 $0x380, v0;
	(ifvalue) =	ssetifvalue $0x7FFFFFFF  }
0xb2: {  	s22 =	sor.u32 s20, s22;
	s23 =	sadd.s32 $0x300, s21;
	(ifvalue) =	ssetifvalue $0x7FFFFFFF  }
0xb3: {  	[tilespmem:s23], [sflag:$0x1] =	stream.indirect_vreg.gather [hbm4b:s2+s13], $0x1, v2, vm0, $0x4038;
	[tilespmem:$0x8400] =	vst v63  }
0xb4: {  	s22 =	sor.u32 $0x380, s22;
	v2 =	vadd.s32 $0x7A1400, v0;
	(ifvalue) =	ssetifvalue $0x7FFFFFFF  }
0xb5: {  	s22 =	sadd.s32 s22, s17;
	(ifvalue) =	ssetifvalue $0x7FFFFFFF  }
0xb6: {  	[tilespmem:s22], [sflag:$0x1] =	stream.indirect_vreg.gather [hbm4b:s2+s13], $0x1, v1, vm0, $0x4038;
	[tilespmem:$0x8400] =	vst v63  }
0xb7: {  	v1 =	vadd.s32 $0x7A1480, v0;
	(ifvalue) =	ssetifvalue $0x7FFFFFFF  }
0xb8: {  	s22 =	sadd.s32 $0x1000, s21;
	(ifvalue) =	ssetifvalue $0x7FFFFFFF  }
0xb9: {  	[tilespmem:s22], [sflag:$0x1] =	stream.indirect_vreg.gather [hbm4b:s2+s13], $0x1, v2, vm0, $0x4038;
	[tilespmem:$0x8400] =	vst v63  }
0xba: {  	v2 =	vadd.s32 $0x7A1500, v0;
	(ifvalue) =	ssetifvalue $0x7FFFFFFF  }
0xbb: {  	s22 =	sadd.s32 $0x1080, s21;
	(ifvalue) =	ssetifvalue $0x7FFFFFFF  }
0xbc: {  	[tilespmem:s22], [sflag:$0x1] =	stream.indirect_vreg.gather [hbm4b:s2+s13], $0x1, v1, vm0, $0x4038;
	[tilespmem:$0x8400] =	vst v63  }
0xbd: {  	v1 =	vadd.s32 $0x7A1580, v0;
	(ifvalue) =	ssetifvalue $0x7FFFFFFF  }
0xbe: {  	s22 =	sadd.s32 $0x1100, s21;
	(ifvalue) =	ssetifvalue $0x7FFFFFFF  }
0xbf: {  	[tilespmem:s22], [sflag:$0x1] =	stream.indirect_vreg.gather [hbm4b:s2+s13], $0x1, v2, vm0, $0x4038;
	[tilespmem:$0x8400] =	vst v63  }
0xc0: {  	v2 =	vadd.s32 $0x7A1600, v0;
	(ifvalue) =	ssetifvalue $0x7FFFFFFF  }
0xc1: {  	s22 =	sadd.s32 $0x1180, s21;
	(ifvalue) =	ssetifvalue $0x7FFFFFFF  }
0xc2: {  	[tilespmem:s22], [sflag:$0x1] =	stream.indirect_vreg.gather [hbm4b:s2+s13], $0x1, v1, vm0, $0x4038;
	[tilespmem:$0x8400] =	vst v63  }
0xc3: {  	v1 =	vadd.s32 $0x7A1680, v0;
	(ifvalue) =	ssetifvalue $0x7FFFFFFF  }
0xc4: {  	s22 =	sadd.s32 $0x1200, s21;
	(ifvalue) =	ssetifvalue $0x7FFFFFFF  }
0xc5: {  	[tilespmem:s22], [sflag:$0x1] =	stream.indirect_vreg.gather [hbm4b:s2+s13], $0x1, v2, vm0, $0x4038;
	[tilespmem:$0x8400] =	vst v63  }
0xc6: {  	v2 =	vadd.s32 $0x7A1700, v0;
	(ifvalue) =	ssetifvalue $0x7FFFFFFF  }
0xc7: {  	s22 =	sadd.s32 $0x1280, s21;
	(ifvalue) =	ssetifvalue $0x7FFFFFFF  }
0xc8: {  	[tilespmem:s22], [sflag:$0x1] =	stream.indirect_vreg.gather [hbm4b:s2+s13], $0x1, v1, vm0, $0x4038;
	[tilespmem:$0x8400] =	vst v63  }
0xc9: {  	v1 =	vadd.s32 $0x7A1780, v0;
	(ifvalue) =	ssetifvalue $0x7FFFFFFF  }
0xca: {  	s22 =	sadd.s32 $0x1300, s21;
	(ifvalue) =	ssetifvalue $0x7FFFFFFF  }
0xcb: {  	[tilespmem:s22], [sflag:$0x1] =	stream.indirect_vreg.gather [hbm4b:s2+s13], $0x1, v2, vm0, $0x4038;
	[tilespmem:$0x8400] =	vst v63  }
0xcc: {  	v2 =	vadd.s32 $0xF42800, v0;
	(ifvalue) =	ssetifvalue $0x7FFFFFFF  }
0xcd: {  	s22 =	sadd.s32 $0x1380, s21;
	(ifvalue) =	ssetifvalue $0x7FFFFFFF  }
0xce: {  	[tilespmem:s22], [sflag:$0x1] =	stream.indirect_vreg.gather [hbm4b:s2+s13], $0x1, v1, vm0, $0x4038;
	[tilespmem:$0x8400] =	vst v63  }
0xcf: {  	v1 =	vadd.s32 $0xF42880, v0;
	(ifvalue) =	ssetifvalue $0x7FFFFFFF  }
0xd0: {  	s22 =	sadd.s32 $0x2000, s21;
	(ifvalue) =	ssetifvalue $0x7FFFFFFF  }
0xd1: {  	[tilespmem:s22], [sflag:$0x1] =	stream.indirect_vreg.gather [hbm4b:s2+s13], $0x1, v2, vm0, $0x4038;
	[tilespmem:$0x8400] =	vst v63  }
0xd2: {  	v2 =	vadd.s32 $0xF42900, v0;
	(ifvalue) =	ssetifvalue $0x7FFFFFFF  }
0xd3: {  	s22 =	sadd.s32 $0x2080, s21;
	(ifvalue) =	ssetifvalue $0x7FFFFFFF  }
0xd4: {  	[tilespmem:s22], [sflag:$0x1] =	stream.indirect_vreg.gather [hbm4b:s2+s13], $0x1, v1, vm0, $0x4038;
	[tilespmem:$0x8400] =	vst v63  }
0xd5: {  	v1 =	vadd.s32 $0xF42980, v0;
	(ifvalue) =	ssetifvalue $0x7FFFFFFF  }
0xd6: {  	s22 =	sadd.s32 $0x2100, s21;
	(ifvalue) =	ssetifvalue $0x7FFFFFFF  }
0xd7: {  	[tilespmem:s22], [sflag:$0x1] =	stream.indirect_vreg.gather [hbm4b:s2+s13], $0x1, v2, vm0, $0x4038;
	[tilespmem:$0x8400] =	vst v63  }
0xd8: {  	v2 =	vadd.s32 $0xF42A00, v0;
	(ifvalue) =	ssetifvalue $0x7FFFFFFF  }
0xd9: {  	s22 =	sadd.s32 $0x2180, s21;
	(ifvalue) =	ssetifvalue $0x7FFFFFFF  }
0xda: {  	[tilespmem:s22], [sflag:$0x1] =	stream.indirect_vreg.gather [hbm4b:s2+s13], $0x1, v1, vm0, $0x4038;
	[tilespmem:$0x8400] =	vst v63  }
0xdb: {  	v1 =	vadd.s32 $0xF42A80, v0;
	(ifvalue) =	ssetifvalue $0x7FFFFFFF  }
0xdc: {  	s22 =	sadd.s32 $0x2200, s21;
	(ifvalue) =	ssetifvalue $0x7FFFFFFF  }
0xdd: {  	[tilespmem:s22], [sflag:$0x1] =	stream.indirect_vreg.gather [hbm4b:s2+s13], $0x1, v2, vm0, $0x4038;
	[tilespmem:$0x8400] =	vst v63  }
0xde: {  	v2 =	vadd.s32 $0xF42B00, v0;
	(ifvalue) =	ssetifvalue $0x7FFFFFFF  }
0xdf: {  	s22 =	sadd.s32 $0x2280, s21;
	(ifvalue) =	ssetifvalue $0x7FFFFFFF  }
0xe0: {  	[tilespmem:s22], [sflag:$0x1] =	stream.indirect_vreg.gather [hbm4b:s2+s13], $0x1, v1, vm0, $0x4038;
	[tilespmem:$0x8400] =	vst v63  }
0xe1: {  	v1 =	vadd.s32 $0xF42B80, v0;
	(ifvalue) =	ssetifvalue $0x7FFFFFFF  }
0xe2: {  	s22 =	sadd.s32 $0x2300, s21;
	(ifvalue) =	ssetifvalue $0x7FFFFFFF  }
0xe3: {  	[tilespmem:s22], [sflag:$0x1] =	stream.indirect_vreg.gather [hbm4b:s2+s13], $0x1, v2, vm0, $0x4038;
	[tilespmem:$0x8400] =	vst v63  }
0xe4: {  	v2 =	vadd.s32 $0x16E3C00, v0;
	(ifvalue) =	ssetifvalue $0x7FFFFFFF  }
0xe5: {  	s22 =	sadd.s32 $0x2380, s21;
	(ifvalue) =	ssetifvalue $0x7FFFFFFF  }
0xe6: {  	[tilespmem:s22], [sflag:$0x1] =	stream.indirect_vreg.gather [hbm4b:s2+s13], $0x1, v1, vm0, $0x4038;
	[tilespmem:$0x8400] =	vst v63  }
0xe7: {  	v1 =	vadd.s32 $0x16E3C80, v0;
	(ifvalue) =	ssetifvalue $0x7FFFFFFF  }
0xe8: {  	s22 =	sadd.s32 $0x3000, s21;
	(ifvalue) =	ssetifvalue $0x7FFFFFFF  }
0xe9: {  	[tilespmem:s22], [sflag:$0x1] =	stream.indirect_vreg.gather [hbm4b:s2+s13], $0x1, v2, vm0, $0x4038;
	[tilespmem:$0x8400] =	vst v63  }
0xea: {  	v2 =	vadd.s32 $0x16E3D00, v0;
	(ifvalue) =	ssetifvalue $0x7FFFFFFF  }
0xeb: {  	s22 =	sadd.s32 $0x3080, s21;
	(ifvalue) =	ssetifvalue $0x7FFFFFFF  }
0xec: {  	[tilespmem:s22], [sflag:$0x1] =	stream.indirect_vreg.gather [hbm4b:s2+s13], $0x1, v1, vm0, $0x4038;
	[tilespmem:$0x8400] =	vst v63  }
0xed: {  	v1 =	vadd.s32 $0x16E3D80, v0;
	(ifvalue) =	ssetifvalue $0x7FFFFFFF  }
0xee: {  	s22 =	sadd.s32 $0x3100, s21;
	(ifvalue) =	ssetifvalue $0x7FFFFFFF  }
0xef: {  	[tilespmem:s22], [sflag:$0x1] =	stream.indirect_vreg.gather [hbm4b:s2+s13], $0x1, v2, vm0, $0x4038;
	[tilespmem:$0x8400] =	vst v63  }
0xf0: {  	v2 =	vadd.s32 $0x16E3E00, v0;
	(ifvalue) =	ssetifvalue $0x7FFFFFFF  }
0xf1: {  	s22 =	sadd.s32 $0x3180, s21;
	(ifvalue) =	ssetifvalue $0x7FFFFFFF  }
0xf2: {  	[tilespmem:s22], [sflag:$0x1] =	stream.indirect_vreg.gather [hbm4b:s2+s13], $0x1, v1, vm0, $0x4038;
	[tilespmem:$0x8400] =	vst v63  }
0xf3: {  	v1 =	vadd.s32 $0x16E3E80, v0;
	(ifvalue) =	ssetifvalue $0x7FFFFFFF  }
0xf4: {  	s22 =	sadd.s32 $0x3200, s21;
	(ifvalue) =	ssetifvalue $0x7FFFFFFF  }
0xf5: {  	[tilespmem:s22], [sflag:$0x1] =	stream.indirect_vreg.gather [hbm4b:s2+s13], $0x1, v2, vm0, $0x4038;
	[tilespmem:$0x8400] =	vst v63  }
0xf6: {  	v2 =	vadd.s32 $0x16E3F00, v0;
	(ifvalue) =	ssetifvalue $0x7FFFFFFF  }
0xf7: {  	s22 =	sadd.s32 $0x3280, s21;
	(ifvalue) =	ssetifvalue $0x7FFFFFFF  }
0xf8: {  	[tilespmem:s22], [sflag:$0x1] =	stream.indirect_vreg.gather [hbm4b:s2+s13], $0x1, v1, vm0, $0x4038;
	[tilespmem:$0x8400] =	vst v63  }
.Ltmp3:
0xf9: {  	v0 =	vadd.s32 $0x16E3F80, v0;
	(ifvalue) =	ssetifvalue $0x7FFFFFFF;
	(pc) =	sbr.rel @p1 .LBB2_3-.Ltmp3, $4  }
0xfa: {  	s22 =	sadd.s32 $0x3300, s21;
	(ifvalue) =	ssetifvalue $0x7FFFFFFF  }
0xfb: {  	[tilespmem:s22], [sflag:$0x1] =	stream.indirect_vreg.gather [hbm4b:s2+s13], $0x1, v2, vm0, $0x4038;
	[tilespmem:$0x8400] =	vst v63  }
0xfc: {  	s19 =	sadd.s32 $0x10, s19;
	(ifvalue) =	ssetifvalue $0x7FFFFFFF  }
0xfd: {  	s20 =	sadd.s32 $0x80, s20;
	s21 =	sadd.s32 $0x3380, s21;
	(ifvalue) =	ssetifvalue $0x7FFFFFFF  }
.Ltmp4:
0xfe: {  	_ = 	snop;
	(pc) =	sbr.rel .LBB2_4-.Ltmp4, $1  }
0xff: {  	_ =	sdelay $0x3  }
.LBB2_6:
0x100: {  	_ =	sfence.sel $0x180000  }
0x101: {  	s2 =	simm.s32 $0x2;
	[bflag:$0x0] =	sbarrier.arrive $0xFFFF  }
0x102: {  	s30 =	simm.s32 $0x3;
	[sflag:s2] =	ssyncpa.u1 $0x1  }
0x103: {  	s31 =	simm.s32 $0x1;
	[sflag:s30] =	ssyncpa.u1 $0x1  }
0x104: {  	[sflag:s31] =	ssyncpa.u1 $0x1  }
0x105: {  	p0 =	sne.s32 s0, $0x0;
	_ =	strace $0x90000047  }
0x106: {  	s0 =	sadd.s32 @!p0 $0x100000, s1;
	[bflag:$0x2] =	sbarrier.arrive $0xFFFF  }
0x107: {  	[sflag:s0] =	ssyncadd.tile.s32 @!p0 $0x1;
	_ =	shalt  }
.Lfunc_end2:
_tile_overlayer_lowered:
.L_overlay_start_2:
0x108: {  	(tag) =	ssettag $0x2  }
0x109: {  	s0 =	rddreg [dreg:$0x0];
	s2 =	stileid.u32  }
0x10a: {  	s1 =	rddreg [dreg:$0x1];
	p0 =	sne.s32 s2, $0x0  }
0x10b: {  	s3 =	rddreg [dreg:$0x2];
	[bflag:$0x3] =	sbarrier.arrive $0xFFFF;
	s2 =	simm.s32 @!p0 $0x1C01  }
0x10c: {  	[timem:s3], [sflag:s2] =	dma.local @!p0 [hbm:s0], s1  }
0x10d: {  	s0 =	simm.s32 @!p0 $0x1  }
0x10e: {  	_ =	swait.ge @!p0 [sflag:s0], s1  }
0x10f: {  	s1 =	ssub.s32 @!p0 $0x0, s1;
	[sflag:s0] =	ssyncset.done @!p0 $0x0  }
0x110: {  	[sflag:s0] =	ssyncadd.s32 @!p0 s1  }
0x111: {  	[bflag:$0x3] =	sbarrier.arrive $0xFFFF  }
0x112: {  	_ =	shalt  }

// kernel: kernel.4.cloned.1.call-start
scs
__scs_entry_jumppad:
0x0: {  	(pc) =	sbr.rel $0x88, $3  }
0x1: {  	(tag) =	ssettag $0x0;
	lr =	simm.s32 $0x1  }
0x2: {  	[smem:$0x3F93] =	sst lr;
	_ =	strace $0xD0000000  }
0x3: {  	_ = 	snop  }
0x4: {  	_ = 	snop  }
0x5: {  	_ = 	snop  }
0x6: {  	_ = 	snop  }
0x7: {  	_ = 	snop  }
__scs_overlays_trampoline_lowered:
0x8: {  	[smem:$0x3FA2] =	sst s0  }
0x9: {  	[smem:$0x3FA3] =	sst s1  }
0xa: {  	[smem:$0x3FA4] =	sst s2  }
0xb: {  	[smem:$0x3FA5] =	sst s3  }
0xc: {  	[smem:$0x3FA6] =	sst s4  }
0xd: {  	[smem:$0x3FA7] =	sst s5  }
0xe: {  	[smem:$0x3FA8] =	sst s6  }
0xf: {  	[smem:$0x3FA9] =	sst s7  }
0x10: {  	[smem:$0x3FAA] =	sst s8  }
0x11: {  	[smem:$0x3FAB] =	sst s9;
	s0 =	simm.s32 @!p0 $0x0  }
0x12: {  	s1 =	sld [smem:$0x3F91];
	s0 =	simm.s32 @p0 $0x1  }
0x13: {  	[smem:$0x3FAC] =	sst s0;
	s0 =	simm.s32 @!p1 $0x0  }
0x14: {  	s2 =	sld [smem:$0x3F90];
	s0 =	simm.s32 @p1 $0x1  }
0x15: {  	[smem:$0x3FAD] =	sst s0;
	s0 =	simm.s32 @!p2 $0x0  }
0x16: {  	s3 =	sld [smem:$0x3FDB];
	s0 =	simm.s32 @p2 $0x1  }
0x17: {  	s4 =	simm.s32 $0x1BF5;
	[smem:$0x3FAF] =	sst s0  }
0x18: {  	s0 =	sld [smem:$0x3F92];
	_ =	swait.ge [sflag:s4], $0x0  }
0x19: {  	s7 =	sld [smem:$0x3F93]  }
0x1a: {  	s8 =	sadd.s32 $0xFFFFE003, lr  }
0x1b: {  	s9 =	sadd.s32 $0xFFFFFEF7, lr;
	s5 =	simm.s32 $0xFFFFFFFF;
	p2 =	slt.u32 s8, $0xFFFFF086  }
0x1c: {  	p1 =	slt.u32 s9, $0xF7A;
	s5 =	simm.s32 @!p2 $0x0  }
0x1d: {  	s5 =	simm.s32 @p1 $0x1;
	p0 =	seq.s32 s7, s2  }
0x1e: {  	s7 =	smul.u32 @!p0 $0xF7A, s2;
	p2 =	seq.s32 @!p0 s5, $0x0  }
0x1f: {  	s9 =	smul.u32 $0xF7A, s1;
	s8 =	simm.s32 @!p0 $0x1BF5;
	p2 =	por !p2, p0  }
0x20: {  	[sflag:s8] =	ssyncset.s32 @!p0 $0xFFFFF086;
	s6 =	sadd.s32 @!p0 s3, s7;
	s7 =	simm.s32 @!p0 $0x108  }
0x21: {  	s3 =	sadd.s32 s3, s9;
	s6 =	sadd.s32 @!p0 $0x88, s6;
	s7 =	simm.s32 @p2 $0x1082  }
0x22: {  	[simem:s7], [sflag:s8] =	dma.local @!p0 [hbm:s6], $0xF7A  }
0x23: {  	s9 =	sor.u32 $0xD0000000, s2;
	s6 =	simm.s32 $0x108;
	_ =	swait.ge @!p0 [sflag:s8], $0x0  }
0x24: {  	s3 =	sadd.s32 $0x88, s3;
	s6 =	simm.s32 @!p1 $0x1082;
	[sflag:s4] =	ssyncset.s32 $0xFFFFF086  }
0x25: {  	[simem:s6], [sflag:s4] =	dma.local [hbm:s3], $0xF7A  }
0x26: {  	[smem:$0x3F93] =	sst s1;
	(tag) =	ssettag s2;
	_ =	strace s9  }
0x27: {  	s1 =	sld [smem:$0x3FA3]  }
0x28: {  	s2 =	sld [smem:$0x3FA4]  }
0x29: {  	s4 =	sld [smem:$0x3FA6]  }
0x2a: {  	p0 =	seq.s32 s5, $0x0;
	s5 =	sld [smem:$0x3FA7]  }
0x2b: {  	s6 =	sld [smem:$0x3FA8]  }
0x2c: {  	s7 =	sld [smem:$0x3FA9]  }
0x2d: {  	s3 =	simm.s32 $0x108;
	s8 =	sld [smem:$0x3FAA]  }
0x2e: {  	s3 =	simm.s32 @!p0 $0x1082;
	s9 =	sld [smem:$0x3FAB]  }
0x2f: {  	lr =	sadd.s32 s0, s3;
	s0 =	sld [smem:$0x3FA2]  }
0x30: {  	s3 =	sld [smem:$0x3FA5]  }
0x31: {  	[smem:$0x3FAE] =	sst s10  }
0x32: {  	s10 =	sld [smem:$0x3FAC];
	_ =	sdelay $0x3  }
0x33: {  	p0 =	seq.s32 s10, $0x1;
	s10 =	sld [smem:$0x3FAE];
	_ =	sdelay $0x3  }
0x34: {  	[smem:$0x3FAE] =	sst s10  }
0x35: {  	s10 =	sld [smem:$0x3FAD];
	_ =	sdelay $0x3  }
0x36: {  	p1 =	seq.s32 s10, $0x1;
	s10 =	sld [smem:$0x3FAE];
	_ =	sdelay $0x3  }
0x37: {  	[smem:$0x3FAE] =	sst s10  }
0x38: {  	s10 =	sld [smem:$0x3FAF]  }
0x39: {  	_ = 	snop;
	(pc) =	sbr.ind lr, $3  }
0x3a: {  	_ = 	snop  }
0x3b: {  	_ = 	snop  }
0x3c: {  	p2 =	seq.s32 s10, $0x1;
	s10 =	sld [smem:$0x3FAE]  }
0x3d: {  	_ =	shalt  }
0x3e: {  	_ =	shalt  }
0x3f: {  	_ =	shalt  }
0x40: {  	_ =	shalt  }
0x41: {  	_ =	shalt  }
0x42: {  	_ =	shalt  }
0x43: {  	_ =	shalt  }
0x44: {  	_ =	shalt  }
0x45: {  	_ =	shalt  }
0x46: {  	_ =	shalt  }
0x47: {  	_ =	shalt  }
0x48: {  	_ =	shalt  }
0x49: {  	_ =	shalt  }
0x4a: {  	_ =	shalt  }
0x4b: {  	_ =	shalt  }
0x4c: {  	_ =	shalt  }
0x4d: {  	_ =	shalt  }
0x4e: {  	_ =	shalt  }
0x4f: {  	_ =	shalt  }
0x50: {  	_ =	shalt  }
0x51: {  	_ =	shalt  }
0x52: {  	_ =	shalt  }
0x53: {  	_ =	shalt  }
0x54: {  	_ =	shalt  }
0x55: {  	_ =	shalt  }
0x56: {  	_ =	shalt  }
0x57: {  	_ =	shalt  }
0x58: {  	_ =	shalt  }
0x59: {  	_ =	shalt  }
0x5a: {  	_ =	shalt  }
0x5b: {  	_ =	shalt  }
0x5c: {  	_ =	shalt  }
0x5d: {  	_ =	shalt  }
0x5e: {  	_ =	shalt  }
0x5f: {  	_ =	shalt  }
0x60: {  	_ =	shalt  }
0x61: {  	_ =	shalt  }
0x62: {  	_ =	shalt  }
0x63: {  	_ =	shalt  }
0x64: {  	_ =	shalt  }
0x65: {  	_ =	shalt  }
0x66: {  	_ =	shalt  }
0x67: {  	_ =	shalt  }
0x68: {  	_ =	shalt  }
0x69: {  	_ =	shalt  }
0x6a: {  	_ =	shalt  }
0x6b: {  	_ =	shalt  }
0x6c: {  	_ =	shalt  }
0x6d: {  	_ =	shalt  }
0x6e: {  	_ =	shalt  }
0x6f: {  	_ =	shalt  }
0x70: {  	_ =	shalt  }
0x71: {  	_ =	shalt  }
0x72: {  	_ =	shalt  }
0x73: {  	_ =	shalt  }
0x74: {  	_ =	shalt  }
0x75: {  	_ =	shalt  }
0x76: {  	_ =	shalt  }
0x77: {  	_ =	shalt  }
0x78: {  	_ =	shalt  }
0x79: {  	_ =	shalt  }
0x7a: {  	_ =	shalt  }
0x7b: {  	_ =	shalt  }
0x7c: {  	_ =	shalt  }
0x7d: {  	_ =	shalt  }
0x7e: {  	_ =	shalt  }
0x7f: {  	_ =	shalt  }
0x80: {  	_ =	shalt  }
0x81: {  	_ =	shalt  }
0x82: {  	_ =	shalt  }
0x83: {  	_ =	shalt  }
0x84: {  	_ =	shalt  }
0x85: {  	_ =	shalt  }
0x86: {  	_ =	shalt  }
0x87: {  	_ =	shalt  }
.Lfunc_end0:
.L_simem_size_0:
called_computation.2_lowered:
.L_overlay_start_0:
0x88: {  	s2 =	sld [smem:$0x3FD9]  }
0x89: {  	s3 =	sld [smem:$0x3FFE];
	_ =	sdelay $0x1  }
0x8a: {  	s1 =	srdreg.scid  }
0x8b: {  	s0 =	sand.u32 $0x1, s1  }
0x8c: {  	s17 =	sshll.u32 s0, $0xA;
	s2 =	sadd.s32 s3, s2  }
0x8d: {  	s2 =	sadd.s32 s2, s17  }
0x8e: {  	[smem:$0x3FBA] =	sst s2  }
0x8f: {  	_ = 	snop  }
0x90: {  	s18 =	sld [smem:$0x3FC9]  }
0x91: {  	s4 =	sld [smem:$0x3FC8]  }
0x92: {  	s5 =	sld [smem:$0x3FC5]  }
0x93: {  	s6 =	sld [smem:$0x3FC4];
	(tm) =	ssettm $0x1  }
0x94: {  	s19 =	sld [smem:$0x3FFB];
	_ =	sdelay $0x3  }
0x95: {  	_ =	strace s19  }
0x96: {  	s2 =	sld [smem:$0x3FFC];
	_ =	sdelay $0x3  }
0x97: {  	_ =	strace s2  }
0x98: {  	s2 =	sld [smem:$0x3FFD];
	_ =	sdelay $0x3  }
0x99: {  	_ =	strace s2  }
0x9a: {  	_ =	strace $0x8FFFFFFF  }
0x9b: {  	s20 =	sld [smem:$0x3FDB];
	_ =	sdelay $0x1  }
0x9c: {  	s7 =	simm.s32 $_scs_section_size  }
0x9d: {  	s8 =	simm.s32 $_size__tile_overlayer_lowered;
	s9 =	simm.s32 $_tile_overlayer_lowered  }
0x9e: {  	s10 =	simm.s32 $0x1BFF;
	s21 =	sshll.u32 s9, $0x1;
	s7 =	sadd.s32 s7, s20  }
0x9f: {  	s22 =	simm.s32 $0x0;
	s8 =	sshll.u32 s8, $0x1;
	s9 =	sadd.s32 s21, s7  }
0xa0: {  	[timem:s22], [sflag:s10] =	dma.local [hbm:s9], s8  }
0xa1: {  	_ =	swait.ge [sflag:s10], s8  }
0xa2: {  	s8 =	ssub.s32 $0x0, s8;
	[sflag:s10] =	ssyncset.done $0x0  }
0xa3: {  	[sflag:s10] =	ssyncadd.s32 s8;
	_ =	sdelay $0x1  }
0xa4: {  	s23 =	simm.s32 $0x1B8B  }
0xa5: {  	_ =	swait.ge [sflag:s23], $0x1  }
0xa6: {  	[sflag:s23] =	ssyncset.done $0x0  }
0xa7: {  	[sflag:s23] =	ssyncadd.s32 $0xFFFFFFFF  }
0xa8: {  	s8 =	sld [smem:$0x0]  }
0xa9: {  	s9 =	sand.u32 $0xFFFFFFFE, s1  }
0xaa: {  	p0 =	sne.s32 s1, s9  }
0xab: {  	s9 =	sshll.u32 @p0 s9, $0xE  }
0xac: {  	s9 =	sadd.s32 @p0 $0x11B8D, s9;
	s10 =	sshll.u32 @p0 s8, $0x11  }
0xad: {  	s9 =	sor.u32 @p0 s10, s9  }
0xae: {  	[sflag:s9] =	ssyncadd.remote.s32 @p0 $0x1;
	_ =	sdelay $0x1  }
0xaf: {  	s9 =	simm.s32 @p0 $0x1B8D  }
0xb0: {  	_ =	swait.eq @p0 [sflag:s9], $0x1  }
0xb1: {  	[sflag:s9] =	ssyncadd.s32 @p0 $0xFFFFFFFF  }
0xb2: {  	s10 =	sshll.u32 @!p0 s1, $0xE  }
0xb3: {  	s10 =	sor.u32 @!p0 $0x4000, s10;
	s9 =	simm.s32 @!p0 $0x1B8D  }
0xb4: {  	s8 =	sshll.u32 @!p0 s8, $0x11;
	s10 =	sadd.s32 @!p0 $0x11B8D, s10;
	_ =	swait.eq @!p0 [sflag:s9], $0x1  }
0xb5: {  	s8 =	sor.u32 @!p0 s8, s10;
	[sflag:s9] =	ssyncadd.s32 @!p0 $0xFFFFFFFF  }
0xb6: {  	s25 =	simm.s32 $0x1B8E;
	s24 =	sld [smem:$0x3FFE];
	[sflag:s8] =	ssyncadd.remote.s32 @!p0 $0x1  }
0xb7: {  	s26 =	simm.s32 $execute0_lowered;
	[smem:$0x3FD2] =	sst s25  }
0xb8: {  	s9 =	sshll.u32 s26, $0x1;
	_ =	strace $0x8000004C;
	[dreg:$0x1] =	wrdreg $0xFFFFFFFF  }
0xb9: {  	s28 =	simm.s32 $_size_execute0_lowered;
	s7 =	sadd.s32 s7, s9;
	[dreg:$0x0] =	wrdreg $0x0  }
0xba: {  	s9 =	sshll.u32 s28, $0x1;
	[dreg:$0x2] =	wrdreg s7  }
0xbb: {  	[dreg:$0x3] =	wrdreg s9  }
0xbc: {  	[dreg:$0x4] =	wrdreg $0xC0  }
0xbd: {  	_ =	task [dreg:s22], $0x5FFFF  }
0xbe: {  	[dreg:$0x1] =	wrdreg $0xFFFFFFFF  }
0xbf: {  	[dreg:$0x0] =	wrdreg $0x60  }
0xc0: {  	[dreg:$0x2] =	wrdreg s18  }
0xc1: {  	[dreg:$0x3] =	wrdreg s4  }
0xc2: {  	[dreg:$0x4] =	wrdreg s5  }
0xc3: {  	[dreg:$0x5] =	wrdreg s6  }
0xc4: {  	[dreg:$0x6] =	wrdreg s24  }
0xc5: {  	[dreg:$0x7] =	wrdreg $0xB  }
0xc6: {  	_ =	task.clear_ibuf [dreg:s22], $0x8FFFF;
	_ =	strace $0x9000004C  }
0xc7: {  	s29 =	simm.s32 $0xB;
	_ =	strace $0x80000059  }
0xc8: {  	_ =	swait.ge [sflag:s29], $0x1  }
0xc9: {  	[sflag:s29] =	ssyncadd.s32 $0xFFFFFFFF  }
0xca: {  	_ =	strace $0x90000059  }
0xcb: {  	_ =	sfence  }
0xcc: {  	s30 =	sld [smem:$0x0];
	_ =	sdelay $0x2  }
0xcd: {  	s31 =	sshll.u32 s1, $0xD;
	s1 =	sshrl.u32 s1, $0x2  }
0xce: {  	s4 =	sand.u32 $0x4000, s31;
	s1 =	sadd.s32 s1, s30  }
0xcf: {  	s0 =	sor.u32 s4, s0;
	s1 =	sshll.u32 s1, $0x11  }
0xd0: {  	s0 =	sor.u32 s1, s0  }
0xd1: {  	s0 =	sadd.s32 $0x8F2B, s0  }
0xd2: {  	[sflag:s0] =	ssyncadd.remote.s32 $0x1  }
0xd3: {  	_ =	sfence.sel $0xFFFF  }
0xd4: {  	[dreg:$0x0] =	wrdreg $0xFFFFFFFF;
	(pc) =	sbr.abs _section_cstart, $3  }
0xd5: {  	[dreg:$0x1] =	wrdreg $0xFFFFFFFF  }
0xd6: {  	_ =	task.clear_ibuf [dreg:s22], $0x2FFFF;
	_ =	strace $0x9FFFFFFF  }
0xd7: {  	(tm) =	ssettm $0x7FFFFFFF  }
tec
execute0_lowered:
.L_overlay_start_1:
0x0: {  	(tag) =	ssettag $0x1  }
0x1: {  	s1 =	rddreg [dreg:$0x0]  }
0x2: {  	s2 =	rddreg [dreg:$0x1]  }
0x3: {  	s3 =	rddreg [dreg:$0x2]  }
0x4: {  	s4 =	rddreg [dreg:$0x3]  }
0x5: {  	s0 =	rddreg [dreg:$0x4]  }
0x6: {  	s5 =	simm.s32 $0x0;
	s6 =	srdreg.scid;
	s9 =	stileid.u32  }
0x7: {  	s14 =	simm.s32 $0x80;
	s15 =	simm.s32 $0x9;
	s16 =	simm.s32 $0x0  }
0x8: {  	[smem:$0x7FF] =	sst s5;
	s6 =	sand.u32 $0x1, s6;
	s7 =	sadd.s32 $0x23000, s0  }
0x9: {  	_ =	strace $0x8000004D;
	s8 =	sshll.u32 s6, $0x4;
	s6 =	ssub.s32 $0x2, s6  }
0xa: {  	s9 =	sor.u32 s9, s8;
	s8 =	sadd.s32 $0x63000, s0;
	s31 =	sshrl.u32 s6, $0x1  }
0xb: {  	s11 =	sshll.u32 s9, $0x6;
	s0 =	ssub.s32 s6, s31;
	s9 =	sshll.u32 s9, $0x2  }
0xc: {  	s10 =	sadd.s32 s1, s11;
	s11 =	sadd.s32 s2, s11;
	s12 =	smax.u32 s0, $0x1  }
.LBB2_1:
0xd: {  	_ =	strace $0x8000004E  }
0xe: {  	s0 =	simm.s32 $0x100;
	s26 =	simm.s32 $0x1;
	s18 =	simm.s32 $0x4  }
0xf: {  	s28 =	simm.s32 $0x0;
	s17 =	simm.s32 $0x0;
	s19 =	simm.s32 $0x0  }
0x10: {  	[tilespmem:s5], [sflag:$0x1] =	stream.linear.gather [hbm4b:s10+s5], $0x80, $0x200038;
	[tilespmem:$0x10200] =	vst v63  }
0x11: {  	s24 =	simm.s32 $0x0;
	s20 =	simm.s32 $0x0;
	s21 =	simm.s32 $0x0  }
0x12: {  	[tilespmem:s0], [sflag:$0x3] =	stream.linear.gather [hbm4b:s11+s5], $0x80, $0x200038;
	[tilespmem:$0x10200] =	vst v63  }
0x13: {  	s22 =	simm.s32 $0x1;
	s23 =	simm.s32 $0x0;
	_ =	strace $0x9000004E  }
.LBB2_2:
0x14: {  	s25 =	sadd.s32 $0x1, s28  }
0x15: {  	p0 =	seq.s32 s25, $0x4  }
0x16: {  	s25 =	simm.s32 @p0 $0x0;
	p0 =	seq.s32 s18, $0x1  }
0x17: {  	p1 =	seq.s32 @!p0 s28, s25  }
0x18: {  	p2 =	por p1, p0  }
0x19: {  	s0 =	sadd.s32 @!p2 s9, s25  }
0x1a: {  	s6 =	sand.u32 @!p2 $0x1, s26;
	s0 =	sshll.u32 @!p2 s0, $0x4  }
0x1b: {  	_ =	strace @!p2 $0x8000004F;
	s31 =	simm.s32 @!p2 $0x0;
	s0 =	sand.u32 @!p2 $0x1FFFFFF0, s0  }
0x1c: {  	s29 =	sshll.u32 @!p2 s6, $0x7;
	s6 =	sadd.s32 @!p2 $0x1, s6;
	s30 =	sadd.s32 @!p2 s1, s0  }
0x1d: {  	[tilespmem:s29], [sflag:s6] =	stream.linear.gather @!p2 [hbm4b:s30+s31], $0x80, $0x200038;
	[tilespmem:$0x10200] =	vst v63  }
0x1e: {  	s6 =	sand.u32 @!p2 $0x1, s22  }
0x1f: {  	s0 =	sadd.s32 @!p2 s2, s0;
	_ =	strace @!p2 $0x9000004F;
	s29 =	sshll.u32 @!p2 s6, $0x7  }
0x20: {  	s6 =	sadd.s32 @!p2 $0x3, s6;
	_ =	strace @!p2 $0x80000050;
	s29 =	sor.u32 @!p2 $0x100, s29  }
0x21: {  	[tilespmem:s29], [sflag:s6] =	stream.linear.gather @!p2 [hbm4b:s0+s31], $0x80, $0x200038;
	[tilespmem:$0x10200] =	vst v63  }
0x22: {  	s6 =	sand.u32 $0x1, s23;
	_ =	strace @!p2 $0x90000050  }
0x23: {  	s0 =	sadd.s32 $0x1, s6;
	_ =	strace $0x80000051  }
0x24: {  	_ =	swait.ge [sflag:s0], $0x80  }
0x25: {  	[sflag:s0] =	ssyncset.done $0x0  }
0x26: {  	[sflag:s0] =	ssyncadd.s32 $0xFFFFFF80  }
0x27: {  	s13 =	sand.u32 $0x1, s21;
	_ =	strace $0x90000051  }
0x28: {  	s0 =	sadd.s32 $0x3, s13;
	_ =	strace $0x80000052  }
0x29: {  	_ =	swait.ge [sflag:s0], $0x80  }
0x2a: {  	[sflag:s0] =	ssyncset.done $0x0  }
0x2b: {  	s30 =	sand.u32 $0x1, s20;
	[sflag:s0] =	ssyncadd.s32 $0xFFFFFF80  }
0x2c: {  	s29 =	sshll.u32 s30, $0xE;
	s31 =	sshll.u32 s23, $0x7;
	_ =	strace $0x90000052  }
0x2d: {  	s6 =	sand.u32 $0x80, s31;
	s0 =	sor.u32 $0x200, s29;
	_ =	strace $0x80000053  }
0x2e: {  	[tilespmem:s0], [sflag:$0x9] =	stream.indirect.gather [hbm4b:s3+s14], $0x80, s6, s14, $0x2000b8;
	[tilespmem:$0x10200] =	vst v63  }
0x2f: {  	s31 =	sand.u32 $0x1, s19;
	s13 =	sshll.u32 s21, $0x7;
	_ =	swait.ge [sflag:s15], $0x4000  }
0x30: {  	s13 =	sand.u32 $0x80, s13;
	s29 =	sshll.u32 s31, $0xE;
	[sflag:s15] =	ssyncset.done $0x0  }
0x31: {  	s13 =	sor.u32 $0x100, s13;
	s6 =	sor.u32 $0x8200, s29;
	[sflag:s15] =	ssyncadd.s32 $0xFFFFC000  }
0x32: {  	[tilespmem:s6], [sflag:$0x9] =	stream.indirect.gather [hbm4b:s4+s14], $0x80, s13, s14, $0x2000b8;
	[tilespmem:$0x10200] =	vst v63  }
0x33: {  	p3 =	por p0, !p1;
	_ =	swait.ge [sflag:s15], $0x4000  }
0x34: {  	s13 =	sadd.s32 @p3 s9, s28;
	[sflag:s15] =	ssyncset.done $0x0  }
0x35: {  	s13 =	sshll.u32 @p3 s13, $0xB;
	[sflag:s15] =	ssyncadd.s32 $0xFFFFC000  }
0x36: {  	s29 =	simm.s32 $0x0;
	s13 =	sand.u32 @p3 $0x1FFFF800, s13;
	_ =	strace $0x90000053  }
0x37: {  	s28 =	sadd.s32 @p3 $0x5, s30;
	s29 =	sadd.s32 @p3 s7, s13;
	_ =	strace @p3 $0x80000054  }
0x38: {  	[hbm4b:s29+s5] =	stream.linear.scatter @p3 [tilespmem:s0], [sflag:s28], $0x4000, $0x200038;
	[tilespmem:$0x10200] =	vst v63  }
0x39: {  	p1 =	por !p1, p0;
	s20 =	sadd.s32 @p3 $0x1, s20;
	_ =	strace @p3 $0x90000054  }
0x3a: {  	s13 =	sadd.s32 @p3 s8, s13;
	s0 =	sadd.s32 @p3 $0x7, s31;
	_ =	strace @p3 $0x80000055  }
0x3b: {  	[hbm4b:s13+s5] =	stream.linear.scatter @p3 [tilespmem:s6], [sflag:s0], $0x4000, $0x200038;
	[tilespmem:$0x10200] =	vst v63  }
0x3c: {  	s29 =	simm.s32 @p3 $0x1;
	_ =	strace @p3 $0x90000055;
	p3 =	seq.s32 s18, $0x4  }
0x3d: {  	s30 =	smov.u32 s26;
	s28 =	smov.u32 s25;
	s0 =	sand.u32 @!p3 $0x1, s24  }
0x3e: {  	s19 =	sadd.s32 s19, s29;
	_ =	strace @!p3 $0x80000056;
	s0 =	sadd.s32 @!p3 $0x5, s0  }
0x3f: {  	s23 =	sadd.s32 s23, s29;
	s6 =	sadd.s32 @!p2 $0x1, s26;
	_ =	swait.ge @!p3 [sflag:s0], $0x4000  }
0x40: {  	s30 =	smov.u32 @p1 s6;
	s18 =	sadd.s32 $0xFFFFFFFF, s18;
	[sflag:s0] =	ssyncset.done @!p3 $0x0  }
0x41: {  	s13 =	sand.u32 @!p3 $0x1, s17;
	[sflag:s0] =	ssyncadd.s32 @!p3 $0xFFFFC000;
	s0 =	simm.s32 $0x0  }
0x42: {  	s30 =	smov.u32 @p0 s26;
	s6 =	simm.s32 @!p3 $0x1;
	s0 =	simm.s32 @p1 $0x1  }
0x43: {  	_ =	strace @!p3 $0x90000056;
	s0 =	simm.s32 @p0 $0x0;
	p0 =	sne.s32 s18, $0x0  }
.Ltmp0:
0x44: {  	s13 =	sadd.s32 @!p3 $0x7, s13;
	_ =	strace @!p3 $0x80000057;
	(pc) =	sbr.rel @p0 .LBB2_2-.Ltmp0, $4  }
0x45: {  	s21 =	sadd.s32 s21, s29;
	s6 =	simm.s32 @p3 $0x0;
	_ =	swait.ge @!p3 [sflag:s13], $0x4000  }
0x46: {  	s22 =	sadd.s32 s22, s0;
	s0 =	sadd.s32 @!p3 $0x1, s24;
	[sflag:s13] =	ssyncset.done @!p3 $0x0  }
0x47: {  	s26 =	smov.u32 s30;
	s0 =	smov.u32 @p3 s24;
	[sflag:s13] =	ssyncadd.s32 @!p3 $0xFFFFC000  }
0x48: {  	s17 =	sadd.s32 s17, s6;
	s24 =	smov.u32 s0;
	_ =	strace @!p3 $0x90000057  }
0x49: {  	s0 =	sand.u32 $0x1, s0  }
0x4a: {  	_ =	strace $0x80000058;
	s0 =	sadd.s32 $0x5, s0  }
0x4b: {  	s16 =	sadd.s32 $0x1, s16;
	_ =	swait.ge [sflag:s0], $0x4000  }
0x4c: {  	s6 =	sand.u32 $0x1, s17;
	p0 =	sne.s32 s16, s12;
	[sflag:s0] =	ssyncset.done $0x0  }
.Ltmp1:
0x4d: {  	s31 =	sadd.s32 $0x7, s6;
	[sflag:s0] =	ssyncadd.s32 $0xFFFFC000;
	(pc) =	sbr.rel @p0 .LBB2_1-.Ltmp1, $4  }
0x4e: {  	_ =	swait.ge [sflag:s31], $0x4000  }
0x4f: {  	[sflag:s31] =	ssyncset.done $0x0  }
0x50: {  	[sflag:s31] =	ssyncadd.s32 $0xFFFFC000  }
0x51: {  	_ =	strace $0x90000058  }
0x52: {  	_ =	sfence.sel $0x180000  }
0x53: {  	[bflag:$0x0] =	sbarrier.arrive $0xFFFF  }
0x54: {  	_ =	strace $0x9000004D  }
0x55: {  	s0 =	stileid.u32;
	[bflag:$0x2] =	sbarrier.arrive $0xFFFF  }
0x56: {  	p0 =	sne.s32 s0, $0x0;
	s0 =	rddreg [dreg:$0x5]  }
0x57: {  	s0 =	sadd.s32 @!p0 $0x100000, s0  }
0x58: {  	[sflag:s0] =	ssyncadd.tile.s32 @!p0 $0x1;
	_ =	shalt  }
.Lfunc_end2:
_tile_overlayer_lowered:
.L_overlay_start_2:
0x59: {  	(tag) =	ssettag $0x2  }
0x5a: {  	s0 =	rddreg [dreg:$0x0];
	s2 =	stileid.u32  }
0x5b: {  	s1 =	rddreg [dreg:$0x1];
	p0 =	sne.s32 s2, $0x0  }
0x5c: {  	s3 =	rddreg [dreg:$0x2];
	[bflag:$0x3] =	sbarrier.arrive $0xFFFF;
	s2 =	simm.s32 @!p0 $0x1C01  }
0x5d: {  	[timem:s3], [sflag:s2] =	dma.local @!p0 [hbm:s0], s1  }
0x5e: {  	s0 =	simm.s32 @!p0 $0x1  }
0x5f: {  	_ =	swait.ge @!p0 [sflag:s0], s1  }
0x60: {  	s1 =	ssub.s32 @!p0 $0x0, s1;
	[sflag:s0] =	ssyncset.done @!p0 $0x0  }
0x61: {  	[sflag:s0] =	ssyncadd.s32 @!p0 s1  }
0x62: {  	[bflag:$0x3] =	sbarrier.arrive $0xFFFF  }
0x63: {  	_ =	shalt  }

</sc_bundles>
